<compile_context>
chip_gen: v7x
topology: tpu7x:2x2x1
jax: 0.10.2.dev20260603
libtpu: 0.0.44.dev20260713+nightly
codegen_flags: <defaults>
</compile_context>

<pallas_src>
import functools

import jax
import jax.numpy as jnp
from jax import lax
from jax.experimental import pallas as pl
from jax.experimental.pallas import tpu as pltpu
from jax.experimental.pallas import tpu_sc as plsc

_NC = 2
_NS = 16
_NW = _NC * _NS
_L = 16
_CHUNK = 128


def _cbow_body(n_per_w, D, idx0_hbm, idx1_hbm, idx2_hbm, emb_in_hbm,
               emb_w_hbm, emb_b_hbm, out_hbm,
               idx0_v, idx1_v, idx2_v, e0_v, e1_v, w_v, b_v, out_v, sem):
    wid = lax.axis_index("s") * _NC + lax.axis_index("c")
    base = wid * n_per_w

    pltpu.sync_copy(idx0_hbm.at[pl.ds(base, n_per_w)], idx0_v)
    pltpu.sync_copy(idx1_hbm.at[pl.ds(base, n_per_w)], idx1_v)
    pltpu.sync_copy(idx2_hbm.at[pl.ds(base, n_per_w)], idx2_v)

    copies = []
    for k in range(0, n_per_w, _CHUNK):
        sl = pl.ds(k, _CHUNK)
        copies.append(pltpu.async_copy(
            emb_in_hbm.at[idx0_v.at[sl]], e0_v.at[sl], sem))
        copies.append(pltpu.async_copy(
            emb_in_hbm.at[idx1_v.at[sl]], e1_v.at[sl], sem))
        copies.append(pltpu.async_copy(
            emb_w_hbm.at[idx2_v.at[sl]], w_v.at[sl], sem))
        copies.append(pltpu.async_copy(
            emb_b_hbm.at[idx2_v.at[sl]], b_v.at[sl], sem))
    for c in copies:
        c.wait()

    lanes = lax.iota(jnp.int32, _L)

    def group(g, _):
        rows = g * _L + lanes
        acc = jnp.zeros((_L,), jnp.float32)
        for d in range(D):
            col = jnp.full((_L,), d, jnp.int32)
            a0 = plsc.load_gather(e0_v, [rows, col])
            a1 = plsc.load_gather(e1_v, [rows, col])
            aw = plsc.load_gather(w_v, [rows, col])
            acc = acc + (a0 + a1) * aw
        logit = acc * 0.5 + b_v[pl.ds(g * _L, _L)]
        out_v[pl.ds(g * _L, _L)] = 1.0 / (1.0 + jnp.exp(-logit))
        return _

    lax.fori_loop(0, n_per_w // _L, group, None)

    pltpu.sync_copy(out_v, out_hbm.at[pl.ds(base, n_per_w)])


def kernel(x, emb_in, emb_out_w, emb_out_b):
    B = x.shape[0]
    V, D = emb_in.shape
    n_per_w = B // _NW

    idx0 = x[:, 0]
    idx1 = x[:, 1]
    idx2 = x[:, 2]
    b_flat = emb_out_b.reshape(V)

    mesh = plsc.VectorSubcoreMesh(core_axis_name="c", subcore_axis_name="s")
    run = pl.kernel(
        functools.partial(_cbow_body, n_per_w, D),
        out_type=jax.ShapeDtypeStruct((B,), jnp.float32),
        mesh=mesh,
        scratch_types=[
            pltpu.VMEM((n_per_w,), jnp.int32),
            pltpu.VMEM((n_per_w,), jnp.int32),
            pltpu.VMEM((n_per_w,), jnp.int32),
            pltpu.VMEM((n_per_w, D), jnp.float32),
            pltpu.VMEM((n_per_w, D), jnp.float32),
            pltpu.VMEM((n_per_w, D), jnp.float32),
            pltpu.VMEM((n_per_w,), jnp.float32),
            pltpu.VMEM((n_per_w,), jnp.float32),
            pltpu.SemaphoreType.DMA,
        ],
        compiler_params=pltpu.CompilerParams(
            needs_layout_passes=False, use_tc_tiling_on_sc=False),
    )
    out = run(idx0, idx1, idx2, emb_in, emb_out_w, b_flat)
    return out.reshape(B, 1)

# --- scband reference (transcript-rebuilt; emitter-appended) ---
"""Pipeline reference for scband-cbow-59090160059135 (READ-ONLY COPY).

The authoritative reference and input builder live on the scoring server;
editing this copy changes nothing except your own understanding.
"""

import jax, jax.numpy as jnp
import numpy as np

VOCAB = 1000000
DIM = 16
BATCH = 16384

def setup_inputs(seed: int = 0) -> dict:
    key = jax.random.key(seed)
    k1, k2, k3, k4 = jax.random.split(key, 4)
    x = jax.random.randint(k1, (BATCH, 3), 0, VOCAB, dtype=jnp.int64 if jax.config.jax_enable_x64 else jnp.int32).astype(jnp.int32)
    emb_in = jax.random.normal(k2, (VOCAB, DIM), dtype=jnp.float32) * 0.02
    emb_out_w = jax.random.normal(k3, (VOCAB, DIM), dtype=jnp.float32) * 0.02
    emb_out_b = jax.random.normal(k4, (VOCAB, 1), dtype=jnp.float32) * 0.02
    return {"x": x, "emb_in": emb_in, "emb_out_w": emb_out_w, "emb_out_b": emb_out_b}

def reference(x, emb_in, emb_out_w, emb_out_b):
    idx_in = x[:, 0:2]            # [B, 2] context word ids
    idx_out = x[:, 2]             # [B]    target word ids
    h = jnp.take(emb_in, idx_in, axis=0)       # [B, 2, D] gather
    h = jnp.mean(h, axis=1)                    # [B, D] average context
    w_out = jnp.take(emb_out_w, idx_out, axis=0)   # [B, D]
    b_out = jnp.take(emb_out_b, idx_out, axis=0)   # [B, 1]
    dot = jnp.sum(h * w_out, axis=1, keepdims=True)  # Dot(axes=(1,1)) -> [B, 1]
    logits = dot + b_out
    out = jax.nn.sigmoid(logits)
    return out

if __name__ == "__main__":
    import jax
    _d = setup_inputs()
    print(jax.jit(kernel)(*tuple(_d.values())))

</pallas_src>

<mosaic_0001>
#map = affine_map<(d0, d1) -> (0)>
#map1 = affine_map<(d0, d1) -> (0, 0)>
module attributes {stable_mosaic.version = 14 : i64} {
  func.func @_cbow_body(%arg0: i32, %arg1: i32, %arg2: memref<16384xi32, #tpu.memory_space<hbm>>, %arg3: memref<16384xi32, #tpu.memory_space<hbm>>, %arg4: memref<16384xi32, #tpu.memory_space<hbm>>, %arg5: memref<1000000x16xf32, #tpu.memory_space<hbm>>, %arg6: memref<1000000x16xf32, #tpu.memory_space<hbm>>, %arg7: memref<1000000xf32, #tpu.memory_space<hbm>>, %arg8: memref<16384xf32, #tpu.memory_space<hbm>>, %arg9: memref<512xi32, #tpu.memory_space<vmem>>, %arg10: memref<512xi32, #tpu.memory_space<vmem>>, %arg11: memref<512xi32, #tpu.memory_space<vmem>>, %arg12: memref<512x16xf32, #tpu.memory_space<vmem>>, %arg13: memref<512x16xf32, #tpu.memory_space<vmem>>, %arg14: memref<512x16xf32, #tpu.memory_space<vmem>>, %arg15: memref<512xf32, #tpu.memory_space<vmem>>, %arg16: memref<512xf32, #tpu.memory_space<vmem>>, %arg17: memref<!tpu.dma_semaphore, #tpu.memory_space<semaphore_mem>>) attributes {dimension_semantics = [#tpu.dimension_semantics<core_parallel>, #tpu.dimension_semantics<subcore_parallel>], iteration_bounds = array<i64: 2, 16>, scalar_prefetch = 0 : i64, scratch_operands = 9 : i64, tpu.core_type = #tpu.core_type<sc_vector_subcore>, window_params = [{transform_indices = #map}, {transform_indices = #map}, {transform_indices = #map}, {transform_indices = #map1}, {transform_indices = #map1}, {transform_indices = #map}, {transform_indices = #map}]} {
    %mul3A = arith.constant 2 : i32
    %mul3A_0 = arith.muli %arg1, %mul3A : i32
    %add3A = arith.addi %mul3A_0, %arg0 : i32
    %mul3A_1 = arith.constant 512 : i32
    %mul3A_2 = arith.muli %add3A, %mul3A_1 : i32
    "tpu.region"() ({
      %run_scoped3A = tpu.sem_alloc : memref<!tpu.dma_semaphore, #tpu.memory_space<semaphore_mem>>
      %dma_start3A_245 = tpu.memref_slice %arg2[%mul3A_2] : memref<16384xi32, #tpu.memory_space<hbm>> -> memref<512xi32, #tpu.memory_space<hbm>>
      %dma_start3A_246 = tpu.memref_slice %arg2[%mul3A_2] : memref<16384xi32, #tpu.memory_space<hbm>> -> memref<512xi32, #tpu.memory_space<hbm>>
      tpu.enqueue_dma source(%dma_start3A_246 : memref<512xi32, #tpu.memory_space<hbm>>) target(%arg9 : memref<512xi32, #tpu.memory_space<vmem>>) target_semaphore(%run_scoped3A : memref<!tpu.dma_semaphore, #tpu.memory_space<semaphore_mem>>)
      %dma_wait3A_247 = tpu.memref_slice %arg2[%mul3A_2] : memref<16384xi32, #tpu.memory_space<hbm>> -> memref<512xi32, #tpu.memory_space<hbm>>
      %dma_wait3A_248 = tpu.memref_slice %arg2[%mul3A_2] : memref<16384xi32, #tpu.memory_space<hbm>> -> memref<512xi32, #tpu.memory_space<hbm>>
      tpu.wait_dma2 semaphore(%run_scoped3A : memref<!tpu.dma_semaphore, #tpu.memory_space<semaphore_mem>>) src(%dma_wait3A_248 : memref<512xi32, #tpu.memory_space<hbm>>) dst(%arg9 : memref<512xi32, #tpu.memory_space<vmem>>)
      tpu.yield
    }) : () -> ()
    "tpu.region"() ({
      %run_scoped3A = tpu.sem_alloc : memref<!tpu.dma_semaphore, #tpu.memory_space<semaphore_mem>>
      %dma_start3A_245 = tpu.memref_slice %arg3[%mul3A_2] : memref<16384xi32, #tpu.memory_space<hbm>> -> memref<512xi32, #tpu.memory_space<hbm>>
      %dma_start3A_246 = tpu.memref_slice %arg3[%mul3A_2] : memref<16384xi32, #tpu.memory_space<hbm>> -> memref<512xi32, #tpu.memory_space<hbm>>
      tpu.enqueue_dma source(%dma_start3A_246 : memref<512xi32, #tpu.memory_space<hbm>>) target(%arg10 : memref<512xi32, #tpu.memory_space<vmem>>) target_semaphore(%run_scoped3A : memref<!tpu.dma_semaphore, #tpu.memory_space<semaphore_mem>>)
      %dma_wait3A_247 = tpu.memref_slice %arg3[%mul3A_2] : memref<16384xi32, #tpu.memory_space<hbm>> -> memref<512xi32, #tpu.memory_space<hbm>>
      %dma_wait3A_248 = tpu.memref_slice %arg3[%mul3A_2] : memref<16384xi32, #tpu.memory_space<hbm>> -> memref<512xi32, #tpu.memory_space<hbm>>
      tpu.wait_dma2 semaphore(%run_scoped3A : memref<!tpu.dma_semaphore, #tpu.memory_space<semaphore_mem>>) src(%dma_wait3A_248 : memref<512xi32, #tpu.memory_space<hbm>>) dst(%arg10 : memref<512xi32, #tpu.memory_space<vmem>>)
      tpu.yield
    }) : () -> ()
    "tpu.region"() ({
      %run_scoped3A = tpu.sem_alloc : memref<!tpu.dma_semaphore, #tpu.memory_space<semaphore_mem>>
      %dma_start3A_245 = tpu.memref_slice %arg4[%mul3A_2] : memref<16384xi32, #tpu.memory_space<hbm>> -> memref<512xi32, #tpu.memory_space<hbm>>
      %dma_start3A_246 = tpu.memref_slice %arg4[%mul3A_2] : memref<16384xi32, #tpu.memory_space<hbm>> -> memref<512xi32, #tpu.memory_space<hbm>>
      tpu.enqueue_dma source(%dma_start3A_246 : memref<512xi32, #tpu.memory_space<hbm>>) target(%arg11 : memref<512xi32, #tpu.memory_space<vmem>>) target_semaphore(%run_scoped3A : memref<!tpu.dma_semaphore, #tpu.memory_space<semaphore_mem>>)
      %dma_wait3A_247 = tpu.memref_slice %arg4[%mul3A_2] : memref<16384xi32, #tpu.memory_space<hbm>> -> memref<512xi32, #tpu.memory_space<hbm>>
      %dma_wait3A_248 = tpu.memref_slice %arg4[%mul3A_2] : memref<16384xi32, #tpu.memory_space<hbm>> -> memref<512xi32, #tpu.memory_space<hbm>>
      tpu.wait_dma2 semaphore(%run_scoped3A : memref<!tpu.dma_semaphore, #tpu.memory_space<semaphore_mem>>) src(%dma_wait3A_248 : memref<512xi32, #tpu.memory_space<hbm>>) dst(%arg11 : memref<512xi32, #tpu.memory_space<vmem>>)
      tpu.yield
    }) : () -> ()
    %dma_start3A = arith.constant 0 : i32
    %dma_start3A_3 = arith.constant 0 : i32
    %dma_start3A_4 = tpu.memref_slice %arg12[%dma_start3A, %dma_start3A_3] : memref<512x16xf32, #tpu.memory_space<vmem>> -> memref<128x16xf32, #tpu.memory_space<vmem>>
    %dma_start3A_5 = arith.constant 0 : i32
    %dma_start3A_6 = tpu.memref_slice %arg9[%dma_start3A_5] : memref<512xi32, #tpu.memory_space<vmem>> -> memref<128xi32, #tpu.memory_space<vmem>>
    %dma_start3A_7 = arith.constant 0 : i32
    %dma_start3A_8 = arith.constant 0 : i32
    %dma_start3A_9 = tpu.memref_slice %arg5[%dma_start3A_7, %dma_start3A_8] : memref<1000000x16xf32, #tpu.memory_space<hbm>> -> memref<1000000x16xf32, #tpu.memory_space<hbm>>
    tpu.enqueue_indirect_dma source(%dma_start3A_9 : memref<1000000x16xf32, #tpu.memory_space<hbm>>) target(%dma_start3A_4 : memref<128x16xf32, #tpu.memory_space<vmem>>) offsets(%dma_start3A_6 : memref<128xi32, #tpu.memory_space<vmem>>) semaphore(%arg17 : memref<!tpu.dma_semaphore, #tpu.memory_space<semaphore_mem>>)
    %dma_start3A_10 = arith.constant 0 : i32
    %dma_start3A_11 = arith.constant 0 : i32
    %dma_start3A_12 = tpu.memref_slice %arg13[%dma_start3A_10, %dma_start3A_11] : memref<512x16xf32, #tpu.memory_space<vmem>> -> memref<128x16xf32, #tpu.memory_space<vmem>>
    %dma_start3A_13 = arith.constant 0 : i32
    %dma_start3A_14 = tpu.memref_slice %arg10[%dma_start3A_13] : memref<512xi32, #tpu.memory_space<vmem>> -> memref<128xi32, #tpu.memory_space<vmem>>
    %dma_start3A_15 = arith.constant 0 : i32
    %dma_start3A_16 = arith.constant 0 : i32
    %dma_start3A_17 = tpu.memref_slice %arg5[%dma_start3A_15, %dma_start3A_16] : memref<1000000x16xf32, #tpu.memory_space<hbm>> -> memref<1000000x16xf32, #tpu.memory_space<hbm>>
    tpu.enqueue_indirect_dma source(%dma_start3A_17 : memref<1000000x16xf32, #tpu.memory_space<hbm>>) target(%dma_start3A_12 : memref<128x16xf32, #tpu.memory_space<vmem>>) offsets(%dma_start3A_14 : memref<128xi32, #tpu.memory_space<vmem>>) semaphore(%arg17 : memref<!tpu.dma_semaphore, #tpu.memory_space<semaphore_mem>>)
    %dma_start3A_18 = arith.constant 0 : i32
    %dma_start3A_19 = arith.constant 0 : i32
    %dma_start3A_20 = tpu.memref_slice %arg14[%dma_start3A_18, %dma_start3A_19] : memref<512x16xf32, #tpu.memory_space<vmem>> -> memref<128x16xf32, #tpu.memory_space<vmem>>
    %dma_start3A_21 = arith.constant 0 : i32
    %dma_start3A_22 = tpu.memref_slice %arg11[%dma_start3A_21] : memref<512xi32, #tpu.memory_space<vmem>> -> memref<128xi32, #tpu.memory_space<vmem>>
    %dma_start3A_23 = arith.constant 0 : i32
    %dma_start3A_24 = arith.constant 0 : i32
    %dma_start3A_25 = tpu.memref_slice %arg6[%dma_start3A_23, %dma_start3A_24] : memref<1000000x16xf32, #tpu.memory_space<hbm>> -> memref<1000000x16xf32, #tpu.memory_space<hbm>>
    tpu.enqueue_indirect_dma source(%dma_start3A_25 : memref<1000000x16xf32, #tpu.memory_space<hbm>>) target(%dma_start3A_20 : memref<128x16xf32, #tpu.memory_space<vmem>>) offsets(%dma_start3A_22 : memref<128xi32, #tpu.memory_space<vmem>>) semaphore(%arg17 : memref<!tpu.dma_semaphore, #tpu.memory_space<semaphore_mem>>)
    %dma_start3A_26 = arith.constant 0 : i32
    %dma_start3A_27 = tpu.memref_slice %arg15[%dma_start3A_26] : memref<512xf32, #tpu.memory_space<vmem>> -> memref<128xf32, #tpu.memory_space<vmem>>
    %dma_start3A_28 = arith.constant 0 : i32
    %dma_start3A_29 = tpu.memref_slice %arg11[%dma_start3A_28] : memref<512xi32, #tpu.memory_space<vmem>> -> memref<128xi32, #tpu.memory_space<vmem>>
    %dma_start3A_30 = arith.constant 0 : i32
    %dma_start3A_31 = tpu.memref_slice %arg7[%dma_start3A_30] : memref<1000000xf32, #tpu.memory_space<hbm>> -> memref<1000000xf32, #tpu.memory_space<hbm>>
    tpu.enqueue_indirect_dma source(%dma_start3A_31 : memref<1000000xf32, #tpu.memory_space<hbm>>) target(%dma_start3A_27 : memref<128xf32, #tpu.memory_space<vmem>>) offsets(%dma_start3A_29 : memref<128xi32, #tpu.memory_space<vmem>>) semaphore(%arg17 : memref<!tpu.dma_semaphore, #tpu.memory_space<semaphore_mem>>)
    %dma_start3A_32 = arith.constant 128 : i32
    %dma_start3A_33 = arith.constant 0 : i32
    %dma_start3A_34 = tpu.memref_slice %arg12[%dma_start3A_32, %dma_start3A_33] : memref<512x16xf32, #tpu.memory_space<vmem>> -> memref<128x16xf32, #tpu.memory_space<vmem>>
    %dma_start3A_35 = arith.constant 128 : i32
    %dma_start3A_36 = tpu.memref_slice %arg9[%dma_start3A_35] : memref<512xi32, #tpu.memory_space<vmem>> -> memref<128xi32, #tpu.memory_space<vmem>>
    %dma_start3A_37 = arith.constant 0 : i32
    %dma_start3A_38 = arith.constant 0 : i32
    %dma_start3A_39 = tpu.memref_slice %arg5[%dma_start3A_37, %dma_start3A_38] : memref<1000000x16xf32, #tpu.memory_space<hbm>> -> memref<1000000x16xf32, #tpu.memory_space<hbm>>
    tpu.enqueue_indirect_dma source(%dma_start3A_39 : memref<1000000x16xf32, #tpu.memory_space<hbm>>) target(%dma_start3A_34 : memref<128x16xf32, #tpu.memory_space<vmem>>) offsets(%dma_start3A_36 : memref<128xi32, #tpu.memory_space<vmem>>) semaphore(%arg17 : memref<!tpu.dma_semaphore, #tpu.memory_space<semaphore_mem>>)
    %dma_start3A_40 = arith.constant 128 : i32
    %dma_start3A_41 = arith.constant 0 : i32
    %dma_start3A_42 = tpu.memref_slice %arg13[%dma_start3A_40, %dma_start3A_41] : memref<512x16xf32, #tpu.memory_space<vmem>> -> memref<128x16xf32, #tpu.memory_space<vmem>>
    %dma_start3A_43 = arith.constant 128 : i32
    %dma_start3A_44 = tpu.memref_slice %arg10[%dma_start3A_43] : memref<512xi32, #tpu.memory_space<vmem>> -> memref<128xi32, #tpu.memory_space<vmem>>
    %dma_start3A_45 = arith.constant 0 : i32
    %dma_start3A_46 = arith.constant 0 : i32
    %dma_start3A_47 = tpu.memref_slice %arg5[%dma_start3A_45, %dma_start3A_46] : memref<1000000x16xf32, #tpu.memory_space<hbm>> -> memref<1000000x16xf32, #tpu.memory_space<hbm>>
    tpu.enqueue_indirect_dma source(%dma_start3A_47 : memref<1000000x16xf32, #tpu.memory_space<hbm>>) target(%dma_start3A_42 : memref<128x16xf32, #tpu.memory_space<vmem>>) offsets(%dma_start3A_44 : memref<128xi32, #tpu.memory_space<vmem>>) semaphore(%arg17 : memref<!tpu.dma_semaphore, #tpu.memory_space<semaphore_mem>>)
    %dma_start3A_48 = arith.constant 128 : i32
    %dma_start3A_49 = arith.constant 0 : i32
    %dma_start3A_50 = tpu.memref_slice %arg14[%dma_start3A_48, %dma_start3A_49] : memref<512x16xf32, #tpu.memory_space<vmem>> -> memref<128x16xf32, #tpu.memory_space<vmem>>
    %dma_start3A_51 = arith.constant 128 : i32
    %dma_start3A_52 = tpu.memref_slice %arg11[%dma_start3A_51] : memref<512xi32, #tpu.memory_space<vmem>> -> memref<128xi32, #tpu.memory_space<vmem>>
    %dma_start3A_53 = arith.constant 0 : i32
    %dma_start3A_54 = arith.constant 0 : i32
    %dma_start3A_55 = tpu.memref_slice %arg6[%dma_start3A_53, %dma_start3A_54] : memref<1000000x16xf32, #tpu.memory_space<hbm>> -> memref<1000000x16xf32, #tpu.memory_space<hbm>>
    tpu.enqueue_indirect_dma source(%dma_start3A_55 : memref<1000000x16xf32, #tpu.memory_space<hbm>>) target(%dma_start3A_50 : memref<128x16xf32, #tpu.memory_space<vmem>>) offsets(%dma_start3A_52 : memref<128xi32, #tpu.memory_space<vmem>>) semaphore(%arg17 : memref<!tpu.dma_semaphore, #tpu.memory_space<semaphore_mem>>)
    %dma_start3A_56 = arith.constant 128 : i32
    %dma_start3A_57 = tpu.memref_slice %arg15[%dma_start3A_56] : memref<512xf32, #tpu.memory_space<vmem>> -> memref<128xf32, #tpu.memory_space<vmem>>
    %dma_start3A_58 = arith.constant 128 : i32
    %dma_start3A_59 = tpu.memref_slice %arg11[%dma_start3A_58] : memref<512xi32, #tpu.memory_space<vmem>> -> memref<128xi32, #tpu.memory_space<vmem>>
    %dma_start3A_60 = arith.constant 0 : i32
    %dma_start3A_61 = tpu.memref_slice %arg7[%dma_start3A_60] : memref<1000000xf32, #tpu.memory_space<hbm>> -> memref<1000000xf32, #tpu.memory_space<hbm>>
    tpu.enqueue_indirect_dma source(%dma_start3A_61 : memref<1000000xf32, #tpu.memory_space<hbm>>) target(%dma_start3A_57 : memref<128xf32, #tpu.memory_space<vmem>>) offsets(%dma_start3A_59 : memref<128xi32, #tpu.memory_space<vmem>>) semaphore(%arg17 : memref<!tpu.dma_semaphore, #tpu.memory_space<semaphore_mem>>)
    %dma_start3A_62 = arith.constant 256 : i32
    %dma_start3A_63 = arith.constant 0 : i32
    %dma_start3A_64 = tpu.memref_slice %arg12[%dma_start3A_62, %dma_start3A_63] : memref<512x16xf32, #tpu.memory_space<vmem>> -> memref<128x16xf32, #tpu.memory_space<vmem>>
    %dma_start3A_65 = arith.constant 256 : i32
    %dma_start3A_66 = tpu.memref_slice %arg9[%dma_start3A_65] : memref<512xi32, #tpu.memory_space<vmem>> -> memref<128xi32, #tpu.memory_space<vmem>>
    %dma_start3A_67 = arith.constant 0 : i32
    %dma_start3A_68 = arith.constant 0 : i32
    %dma_start3A_69 = tpu.memref_slice %arg5[%dma_start3A_67, %dma_start3A_68] : memref<1000000x16xf32, #tpu.memory_space<hbm>> -> memref<1000000x16xf32, #tpu.memory_space<hbm>>
    tpu.enqueue_indirect_dma source(%dma_start3A_69 : memref<1000000x16xf32, #tpu.memory_space<hbm>>) target(%dma_start3A_64 : memref<128x16xf32, #tpu.memory_space<vmem>>) offsets(%dma_start3A_66 : memref<128xi32, #tpu.memory_space<vmem>>) semaphore(%arg17 : memref<!tpu.dma_semaphore, #tpu.memory_space<semaphore_mem>>)
    %dma_start3A_70 = arith.constant 256 : i32
    %dma_start3A_71 = arith.constant 0 : i32
    %dma_start3A_72 = tpu.memref_slice %arg13[%dma_start3A_70, %dma_start3A_71] : memref<512x16xf32, #tpu.memory_space<vmem>> -> memref<128x16xf32, #tpu.memory_space<vmem>>
    %dma_start3A_73 = arith.constant 256 : i32
    %dma_start3A_74 = tpu.memref_slice %arg10[%dma_start3A_73] : memref<512xi32, #tpu.memory_space<vmem>> -> memref<128xi32, #tpu.memory_space<vmem>>
    %dma_start3A_75 = arith.constant 0 : i32
    %dma_start3A_76 = arith.constant 0 : i32
    %dma_start3A_77 = tpu.memref_slice %arg5[%dma_start3A_75, %dma_start3A_76] : memref<1000000x16xf32, #tpu.memory_space<hbm>> -> memref<1000000x16xf32, #tpu.memory_space<hbm>>
    tpu.enqueue_indirect_dma source(%dma_start3A_77 : memref<1000000x16xf32, #tpu.memory_space<hbm>>) target(%dma_start3A_72 : memref<128x16xf32, #tpu.memory_space<vmem>>) offsets(%dma_start3A_74 : memref<128xi32, #tpu.memory_space<vmem>>) semaphore(%arg17 : memref<!tpu.dma_semaphore, #tpu.memory_space<semaphore_mem>>)
    %dma_start3A_78 = arith.constant 256 : i32
    %dma_start3A_79 = arith.constant 0 : i32
    %dma_start3A_80 = tpu.memref_slice %arg14[%dma_start3A_78, %dma_start3A_79] : memref<512x16xf32, #tpu.memory_space<vmem>> -> memref<128x16xf32, #tpu.memory_space<vmem>>
    %dma_start3A_81 = arith.constant 256 : i32
    %dma_start3A_82 = tpu.memref_slice %arg11[%dma_start3A_81] : memref<512xi32, #tpu.memory_space<vmem>> -> memref<128xi32, #tpu.memory_space<vmem>>
    %dma_start3A_83 = arith.constant 0 : i32
    %dma_start3A_84 = arith.constant 0 : i32
    %dma_start3A_85 = tpu.memref_slice %arg6[%dma_start3A_83, %dma_start3A_84] : memref<1000000x16xf32, #tpu.memory_space<hbm>> -> memref<1000000x16xf32, #tpu.memory_space<hbm>>
    tpu.enqueue_indirect_dma source(%dma_start3A_85 : memref<1000000x16xf32, #tpu.memory_space<hbm>>) target(%dma_start3A_80 : memref<128x16xf32, #tpu.memory_space<vmem>>) offsets(%dma_start3A_82 : memref<128xi32, #tpu.memory_space<vmem>>) semaphore(%arg17 : memref<!tpu.dma_semaphore, #tpu.memory_space<semaphore_mem>>)
    %dma_start3A_86 = arith.constant 256 : i32
    %dma_start3A_87 = tpu.memref_slice %arg15[%dma_start3A_86] : memref<512xf32, #tpu.memory_space<vmem>> -> memref<128xf32, #tpu.memory_space<vmem>>
    %dma_start3A_88 = arith.constant 256 : i32
    %dma_start3A_89 = tpu.memref_slice %arg11[%dma_start3A_88] : memref<512xi32, #tpu.memory_space<vmem>> -> memref<128xi32, #tpu.memory_space<vmem>>
    %dma_start3A_90 = arith.constant 0 : i32
    %dma_start3A_91 = tpu.memref_slice %arg7[%dma_start3A_90] : memref<1000000xf32, #tpu.memory_space<hbm>> -> memref<1000000xf32, #tpu.memory_space<hbm>>
    tpu.enqueue_indirect_dma source(%dma_start3A_91 : memref<1000000xf32, #tpu.memory_space<hbm>>) target(%dma_start3A_87 : memref<128xf32, #tpu.memory_space<vmem>>) offsets(%dma_start3A_89 : memref<128xi32, #tpu.memory_space<vmem>>) semaphore(%arg17 : memref<!tpu.dma_semaphore, #tpu.memory_space<semaphore_mem>>)
    %dma_start3A_92 = arith.constant 384 : i32
    %dma_start3A_93 = arith.constant 0 : i32
    %dma_start3A_94 = tpu.memref_slice %arg12[%dma_start3A_92, %dma_start3A_93] : memref<512x16xf32, #tpu.memory_space<vmem>> -> memref<128x16xf32, #tpu.memory_space<vmem>>
    %dma_start3A_95 = arith.constant 384 : i32
    %dma_start3A_96 = tpu.memref_slice %arg9[%dma_start3A_95] : memref<512xi32, #tpu.memory_space<vmem>> -> memref<128xi32, #tpu.memory_space<vmem>>
    %dma_start3A_97 = arith.constant 0 : i32
    %dma_start3A_98 = arith.constant 0 : i32
    %dma_start3A_99 = tpu.memref_slice %arg5[%dma_start3A_97, %dma_start3A_98] : memref<1000000x16xf32, #tpu.memory_space<hbm>> -> memref<1000000x16xf32, #tpu.memory_space<hbm>>
    tpu.enqueue_indirect_dma source(%dma_start3A_99 : memref<1000000x16xf32, #tpu.memory_space<hbm>>) target(%dma_start3A_94 : memref<128x16xf32, #tpu.memory_space<vmem>>) offsets(%dma_start3A_96 : memref<128xi32, #tpu.memory_space<vmem>>) semaphore(%arg17 : memref<!tpu.dma_semaphore, #tpu.memory_space<semaphore_mem>>)
    %dma_start3A_100 = arith.constant 384 : i32
    %dma_start3A_101 = arith.constant 0 : i32
    %dma_start3A_102 = tpu.memref_slice %arg13[%dma_start3A_100, %dma_start3A_101] : memref<512x16xf32, #tpu.memory_space<vmem>> -> memref<128x16xf32, #tpu.memory_space<vmem>>
    %dma_start3A_103 = arith.constant 384 : i32
    %dma_start3A_104 = tpu.memref_slice %arg10[%dma_start3A_103] : memref<512xi32, #tpu.memory_space<vmem>> -> memref<128xi32, #tpu.memory_space<vmem>>
    %dma_start3A_105 = arith.constant 0 : i32
    %dma_start3A_106 = arith.constant 0 : i32
    %dma_start3A_107 = tpu.memref_slice %arg5[%dma_start3A_105, %dma_start3A_106] : memref<1000000x16xf32, #tpu.memory_space<hbm>> -> memref<1000000x16xf32, #tpu.memory_space<hbm>>
    tpu.enqueue_indirect_dma source(%dma_start3A_107 : memref<1000000x16xf32, #tpu.memory_space<hbm>>) target(%dma_start3A_102 : memref<128x16xf32, #tpu.memory_space<vmem>>) offsets(%dma_start3A_104 : memref<128xi32, #tpu.memory_space<vmem>>) semaphore(%arg17 : memref<!tpu.dma_semaphore, #tpu.memory_space<semaphore_mem>>)
    %dma_start3A_108 = arith.constant 384 : i32
    %dma_start3A_109 = arith.constant 0 : i32
    %dma_start3A_110 = tpu.memref_slice %arg14[%dma_start3A_108, %dma_start3A_109] : memref<512x16xf32, #tpu.memory_space<vmem>> -> memref<128x16xf32, #tpu.memory_space<vmem>>
    %dma_start3A_111 = arith.constant 384 : i32
    %dma_start3A_112 = tpu.memref_slice %arg11[%dma_start3A_111] : memref<512xi32, #tpu.memory_space<vmem>> -> memref<128xi32, #tpu.memory_space<vmem>>
    %dma_start3A_113 = arith.constant 0 : i32
    %dma_start3A_114 = arith.constant 0 : i32
    %dma_start3A_115 = tpu.memref_slice %arg6[%dma_start3A_113, %dma_start3A_114] : memref<1000000x16xf32, #tpu.memory_space<hbm>> -> memref<1000000x16xf32, #tpu.memory_space<hbm>>
    tpu.enqueue_indirect_dma source(%dma_start3A_115 : memref<1000000x16xf32, #tpu.memory_space<hbm>>) target(%dma_start3A_110 : memref<128x16xf32, #tpu.memory_space<vmem>>) offsets(%dma_start3A_112 : memref<128xi32, #tpu.memory_space<vmem>>) semaphore(%arg17 : memref<!tpu.dma_semaphore, #tpu.memory_space<semaphore_mem>>)
    %dma_start3A_116 = arith.constant 384 : i32
    %dma_start3A_117 = tpu.memref_slice %arg15[%dma_start3A_116] : memref<512xf32, #tpu.memory_space<vmem>> -> memref<128xf32, #tpu.memory_space<vmem>>
    %dma_start3A_118 = arith.constant 384 : i32
    %dma_start3A_119 = tpu.memref_slice %arg11[%dma_start3A_118] : memref<512xi32, #tpu.memory_space<vmem>> -> memref<128xi32, #tpu.memory_space<vmem>>
    %dma_start3A_120 = arith.constant 0 : i32
    %dma_start3A_121 = tpu.memref_slice %arg7[%dma_start3A_120] : memref<1000000xf32, #tpu.memory_space<hbm>> -> memref<1000000xf32, #tpu.memory_space<hbm>>
    tpu.enqueue_indirect_dma source(%dma_start3A_121 : memref<1000000xf32, #tpu.memory_space<hbm>>) target(%dma_start3A_117 : memref<128xf32, #tpu.memory_space<vmem>>) offsets(%dma_start3A_119 : memref<128xi32, #tpu.memory_space<vmem>>) semaphore(%arg17 : memref<!tpu.dma_semaphore, #tpu.memory_space<semaphore_mem>>)
    %dma_wait3A = arith.constant 0 : i32
    %dma_wait3A_122 = arith.constant 0 : i32
    %dma_wait3A_123 = tpu.memref_slice %arg12[%dma_wait3A, %dma_wait3A_122] : memref<512x16xf32, #tpu.memory_space<vmem>> -> memref<128x16xf32, #tpu.memory_space<vmem>>
    %dma_wait3A_124 = arith.constant 0 : i32
    %dma_wait3A_125 = tpu.memref_slice %arg9[%dma_wait3A_124] : memref<512xi32, #tpu.memory_space<vmem>> -> memref<128xi32, #tpu.memory_space<vmem>>
    %dma_wait3A_126 = arith.constant 0 : i32
    %dma_wait3A_127 = arith.constant 0 : i32
    %dma_wait3A_128 = tpu.memref_slice %arg5[%dma_wait3A_126, %dma_wait3A_127] : memref<1000000x16xf32, #tpu.memory_space<hbm>> -> memref<1000000x16xf32, #tpu.memory_space<hbm>>
    tpu.wait_indirect_dma semaphore(%arg17 : memref<!tpu.dma_semaphore, #tpu.memory_space<semaphore_mem>>) src(%dma_wait3A_128 : memref<1000000x16xf32, #tpu.memory_space<hbm>>) dst(%dma_wait3A_123 : memref<128x16xf32, #tpu.memory_space<vmem>>)
    %dma_wait3A_129 = arith.constant 0 : i32
    %dma_wait3A_130 = arith.constant 0 : i32
    %dma_wait3A_131 = tpu.memref_slice %arg13[%dma_wait3A_129, %dma_wait3A_130] : memref<512x16xf32, #tpu.memory_space<vmem>> -> memref<128x16xf32, #tpu.memory_space<vmem>>
    %dma_wait3A_132 = arith.constant 0 : i32
    %dma_wait3A_133 = tpu.memref_slice %arg10[%dma_wait3A_132] : memref<512xi32, #tpu.memory_space<vmem>> -> memref<128xi32, #tpu.memory_space<vmem>>
    %dma_wait3A_134 = arith.constant 0 : i32
    %dma_wait3A_135 = arith.constant 0 : i32
    %dma_wait3A_136 = tpu.memref_slice %arg5[%dma_wait3A_134, %dma_wait3A_135] : memref<1000000x16xf32, #tpu.memory_space<hbm>> -> memref<1000000x16xf32, #tpu.memory_space<hbm>>
    tpu.wait_indirect_dma semaphore(%arg17 : memref<!tpu.dma_semaphore, #tpu.memory_space<semaphore_mem>>) src(%dma_wait3A_136 : memref<1000000x16xf32, #tpu.memory_space<hbm>>) dst(%dma_wait3A_131 : memref<128x16xf32, #tpu.memory_space<vmem>>)
    %dma_wait3A_137 = arith.constant 0 : i32
    %dma_wait3A_138 = arith.constant 0 : i32
    %dma_wait3A_139 = tpu.memref_slice %arg14[%dma_wait3A_137, %dma_wait3A_138] : memref<512x16xf32, #tpu.memory_space<vmem>> -> memref<128x16xf32, #tpu.memory_space<vmem>>
    %dma_wait3A_140 = arith.constant 0 : i32
    %dma_wait3A_141 = tpu.memref_slice %arg11[%dma_wait3A_140] : memref<512xi32, #tpu.memory_space<vmem>> -> memref<128xi32, #tpu.memory_space<vmem>>
    %dma_wait3A_142 = arith.constant 0 : i32
    %dma_wait3A_143 = arith.constant 0 : i32
    %dma_wait3A_144 = tpu.memref_slice %arg6[%dma_wait3A_142, %dma_wait3A_143] : memref<1000000x16xf32, #tpu.memory_space<hbm>> -> memref<1000000x16xf32, #tpu.memory_space<hbm>>
    tpu.wait_indirect_dma semaphore(%arg17 : memref<!tpu.dma_semaphore, #tpu.memory_space<semaphore_mem>>) src(%dma_wait3A_144 : memref<1000000x16xf32, #tpu.memory_space<hbm>>) dst(%dma_wait3A_139 : memref<128x16xf32, #tpu.memory_space<vmem>>)
    %dma_wait3A_145 = arith.constant 0 : i32
    %dma_wait3A_146 = tpu.memref_slice %arg15[%dma_wait3A_145] : memref<512xf32, #tpu.memory_space<vmem>> -> memref<128xf32, #tpu.memory_space<vmem>>
    %dma_wait3A_147 = arith.constant 0 : i32
    %dma_wait3A_148 = tpu.memref_slice %arg11[%dma_wait3A_147] : memref<512xi32, #tpu.memory_space<vmem>> -> memref<128xi32, #tpu.memory_space<vmem>>
    %dma_wait3A_149 = arith.constant 0 : i32
    %dma_wait3A_150 = tpu.memref_slice %arg7[%dma_wait3A_149] : memref<1000000xf32, #tpu.memory_space<hbm>> -> memref<1000000xf32, #tpu.memory_space<hbm>>
    tpu.wait_indirect_dma semaphore(%arg17 : memref<!tpu.dma_semaphore, #tpu.memory_space<semaphore_mem>>) src(%dma_wait3A_150 : memref<1000000xf32, #tpu.memory_space<hbm>>) dst(%dma_wait3A_146 : memref<128xf32, #tpu.memory_space<vmem>>)
    %dma_wait3A_151 = arith.constant 128 : i32
    %dma_wait3A_152 = arith.constant 0 : i32
    %dma_wait3A_153 = tpu.memref_slice %arg12[%dma_wait3A_151, %dma_wait3A_152] : memref<512x16xf32, #tpu.memory_space<vmem>> -> memref<128x16xf32, #tpu.memory_space<vmem>>
    %dma_wait3A_154 = arith.constant 128 : i32
    %dma_wait3A_155 = tpu.memref_slice %arg9[%dma_wait3A_154] : memref<512xi32, #tpu.memory_space<vmem>> -> memref<128xi32, #tpu.memory_space<vmem>>
    %dma_wait3A_156 = arith.constant 0 : i32
    %dma_wait3A_157 = arith.constant 0 : i32
    %dma_wait3A_158 = tpu.memref_slice %arg5[%dma_wait3A_156, %dma_wait3A_157] : memref<1000000x16xf32, #tpu.memory_space<hbm>> -> memref<1000000x16xf32, #tpu.memory_space<hbm>>
    tpu.wait_indirect_dma semaphore(%arg17 : memref<!tpu.dma_semaphore, #tpu.memory_space<semaphore_mem>>) src(%dma_wait3A_158 : memref<1000000x16xf32, #tpu.memory_space<hbm>>) dst(%dma_wait3A_153 : memref<128x16xf32, #tpu.memory_space<vmem>>)
    %dma_wait3A_159 = arith.constant 128 : i32
    %dma_wait3A_160 = arith.constant 0 : i32
    %dma_wait3A_161 = tpu.memref_slice %arg13[%dma_wait3A_159, %dma_wait3A_160] : memref<512x16xf32, #tpu.memory_space<vmem>> -> memref<128x16xf32, #tpu.memory_space<vmem>>
    %dma_wait3A_162 = arith.constant 128 : i32
    %dma_wait3A_163 = tpu.memref_slice %arg10[%dma_wait3A_162] : memref<512xi32, #tpu.memory_space<vmem>> -> memref<128xi32, #tpu.memory_space<vmem>>
    %dma_wait3A_164 = arith.constant 0 : i32
    %dma_wait3A_165 = arith.constant 0 : i32
    %dma_wait3A_166 = tpu.memref_slice %arg5[%dma_wait3A_164, %dma_wait3A_165] : memref<1000000x16xf32, #tpu.memory_space<hbm>> -> memref<1000000x16xf32, #tpu.memory_space<hbm>>
    tpu.wait_indirect_dma semaphore(%arg17 : memref<!tpu.dma_semaphore, #tpu.memory_space<semaphore_mem>>) src(%dma_wait3A_166 : memref<1000000x16xf32, #tpu.memory_space<hbm>>) dst(%dma_wait3A_161 : memref<128x16xf32, #tpu.memory_space<vmem>>)
    %dma_wait3A_167 = arith.constant 128 : i32
    %dma_wait3A_168 = arith.constant 0 : i32
    %dma_wait3A_169 = tpu.memref_slice %arg14[%dma_wait3A_167, %dma_wait3A_168] : memref<512x16xf32, #tpu.memory_space<vmem>> -> memref<128x16xf32, #tpu.memory_space<vmem>>
    %dma_wait3A_170 = arith.constant 128 : i32
    %dma_wait3A_171 = tpu.memref_slice %arg11[%dma_wait3A_170] : memref<512xi32, #tpu.memory_space<vmem>> -> memref<128xi32, #tpu.memory_space<vmem>>
    %dma_wait3A_172 = arith.constant 0 : i32
    %dma_wait3A_173 = arith.constant 0 : i32
    %dma_wait3A_174 = tpu.memref_slice %arg6[%dma_wait3A_172, %dma_wait3A_173] : memref<1000000x16xf32, #tpu.memory_space<hbm>> -> memref<1000000x16xf32, #tpu.memory_space<hbm>>
    tpu.wait_indirect_dma semaphore(%arg17 : memref<!tpu.dma_semaphore, #tpu.memory_space<semaphore_mem>>) src(%dma_wait3A_174 : memref<1000000x16xf32, #tpu.memory_space<hbm>>) dst(%dma_wait3A_169 : memref<128x16xf32, #tpu.memory_space<vmem>>)
    %dma_wait3A_175 = arith.constant 128 : i32
    %dma_wait3A_176 = tpu.memref_slice %arg15[%dma_wait3A_175] : memref<512xf32, #tpu.memory_space<vmem>> -> memref<128xf32, #tpu.memory_space<vmem>>
    %dma_wait3A_177 = arith.constant 128 : i32
    %dma_wait3A_178 = tpu.memref_slice %arg11[%dma_wait3A_177] : memref<512xi32, #tpu.memory_space<vmem>> -> memref<128xi32, #tpu.memory_space<vmem>>
    %dma_wait3A_179 = arith.constant 0 : i32
    %dma_wait3A_180 = tpu.memref_slice %arg7[%dma_wait3A_179] : memref<1000000xf32, #tpu.memory_space<hbm>> -> memref<1000000xf32, #tpu.memory_space<hbm>>
    tpu.wait_indirect_dma semaphore(%arg17 : memref<!tpu.dma_semaphore, #tpu.memory_space<semaphore_mem>>) src(%dma_wait3A_180 : memref<1000000xf32, #tpu.memory_space<hbm>>) dst(%dma_wait3A_176 : memref<128xf32, #tpu.memory_space<vmem>>)
    %dma_wait3A_181 = arith.constant 256 : i32
    %dma_wait3A_182 = arith.constant 0 : i32
    %dma_wait3A_183 = tpu.memref_slice %arg12[%dma_wait3A_181, %dma_wait3A_182] : memref<512x16xf32, #tpu.memory_space<vmem>> -> memref<128x16xf32, #tpu.memory_space<vmem>>
    %dma_wait3A_184 = arith.constant 256 : i32
    %dma_wait3A_185 = tpu.memref_slice %arg9[%dma_wait3A_184] : memref<512xi32, #tpu.memory_space<vmem>> -> memref<128xi32, #tpu.memory_space<vmem>>
    %dma_wait3A_186 = arith.constant 0 : i32
    %dma_wait3A_187 = arith.constant 0 : i32
    %dma_wait3A_188 = tpu.memref_slice %arg5[%dma_wait3A_186, %dma_wait3A_187] : memref<1000000x16xf32, #tpu.memory_space<hbm>> -> memref<1000000x16xf32, #tpu.memory_space<hbm>>
    tpu.wait_indirect_dma semaphore(%arg17 : memref<!tpu.dma_semaphore, #tpu.memory_space<semaphore_mem>>) src(%dma_wait3A_188 : memref<1000000x16xf32, #tpu.memory_space<hbm>>) dst(%dma_wait3A_183 : memref<128x16xf32, #tpu.memory_space<vmem>>)
    %dma_wait3A_189 = arith.constant 256 : i32
    %dma_wait3A_190 = arith.constant 0 : i32
    %dma_wait3A_191 = tpu.memref_slice %arg13[%dma_wait3A_189, %dma_wait3A_190] : memref<512x16xf32, #tpu.memory_space<vmem>> -> memref<128x16xf32, #tpu.memory_space<vmem>>
    %dma_wait3A_192 = arith.constant 256 : i32
    %dma_wait3A_193 = tpu.memref_slice %arg10[%dma_wait3A_192] : memref<512xi32, #tpu.memory_space<vmem>> -> memref<128xi32, #tpu.memory_space<vmem>>
    %dma_wait3A_194 = arith.constant 0 : i32
    %dma_wait3A_195 = arith.constant 0 : i32
    %dma_wait3A_196 = tpu.memref_slice %arg5[%dma_wait3A_194, %dma_wait3A_195] : memref<1000000x16xf32, #tpu.memory_space<hbm>> -> memref<1000000x16xf32, #tpu.memory_space<hbm>>
    tpu.wait_indirect_dma semaphore(%arg17 : memref<!tpu.dma_semaphore, #tpu.memory_space<semaphore_mem>>) src(%dma_wait3A_196 : memref<1000000x16xf32, #tpu.memory_space<hbm>>) dst(%dma_wait3A_191 : memref<128x16xf32, #tpu.memory_space<vmem>>)
    %dma_wait3A_197 = arith.constant 256 : i32
    %dma_wait3A_198 = arith.constant 0 : i32
    %dma_wait3A_199 = tpu.memref_slice %arg14[%dma_wait3A_197, %dma_wait3A_198] : memref<512x16xf32, #tpu.memory_space<vmem>> -> memref<128x16xf32, #tpu.memory_space<vmem>>
    %dma_wait3A_200 = arith.constant 256 : i32
    %dma_wait3A_201 = tpu.memref_slice %arg11[%dma_wait3A_200] : memref<512xi32, #tpu.memory_space<vmem>> -> memref<128xi32, #tpu.memory_space<vmem>>
    %dma_wait3A_202 = arith.constant 0 : i32
    %dma_wait3A_203 = arith.constant 0 : i32
    %dma_wait3A_204 = tpu.memref_slice %arg6[%dma_wait3A_202, %dma_wait3A_203] : memref<1000000x16xf32, #tpu.memory_space<hbm>> -> memref<1000000x16xf32, #tpu.memory_space<hbm>>
    tpu.wait_indirect_dma semaphore(%arg17 : memref<!tpu.dma_semaphore, #tpu.memory_space<semaphore_mem>>) src(%dma_wait3A_204 : memref<1000000x16xf32, #tpu.memory_space<hbm>>) dst(%dma_wait3A_199 : memref<128x16xf32, #tpu.memory_space<vmem>>)
    %dma_wait3A_205 = arith.constant 256 : i32
    %dma_wait3A_206 = tpu.memref_slice %arg15[%dma_wait3A_205] : memref<512xf32, #tpu.memory_space<vmem>> -> memref<128xf32, #tpu.memory_space<vmem>>
    %dma_wait3A_207 = arith.constant 256 : i32
    %dma_wait3A_208 = tpu.memref_slice %arg11[%dma_wait3A_207] : memref<512xi32, #tpu.memory_space<vmem>> -> memref<128xi32, #tpu.memory_space<vmem>>
    %dma_wait3A_209 = arith.constant 0 : i32
    %dma_wait3A_210 = tpu.memref_slice %arg7[%dma_wait3A_209] : memref<1000000xf32, #tpu.memory_space<hbm>> -> memref<1000000xf32, #tpu.memory_space<hbm>>
    tpu.wait_indirect_dma semaphore(%arg17 : memref<!tpu.dma_semaphore, #tpu.memory_space<semaphore_mem>>) src(%dma_wait3A_210 : memref<1000000xf32, #tpu.memory_space<hbm>>) dst(%dma_wait3A_206 : memref<128xf32, #tpu.memory_space<vmem>>)
    %dma_wait3A_211 = arith.constant 384 : i32
    %dma_wait3A_212 = arith.constant 0 : i32
    %dma_wait3A_213 = tpu.memref_slice %arg12[%dma_wait3A_211, %dma_wait3A_212] : memref<512x16xf32, #tpu.memory_space<vmem>> -> memref<128x16xf32, #tpu.memory_space<vmem>>
    %dma_wait3A_214 = arith.constant 384 : i32
    %dma_wait3A_215 = tpu.memref_slice %arg9[%dma_wait3A_214] : memref<512xi32, #tpu.memory_space<vmem>> -> memref<128xi32, #tpu.memory_space<vmem>>
    %dma_wait3A_216 = arith.constant 0 : i32
    %dma_wait3A_217 = arith.constant 0 : i32
    %dma_wait3A_218 = tpu.memref_slice %arg5[%dma_wait3A_216, %dma_wait3A_217] : memref<1000000x16xf32, #tpu.memory_space<hbm>> -> memref<1000000x16xf32, #tpu.memory_space<hbm>>
    tpu.wait_indirect_dma semaphore(%arg17 : memref<!tpu.dma_semaphore, #tpu.memory_space<semaphore_mem>>) src(%dma_wait3A_218 : memref<1000000x16xf32, #tpu.memory_space<hbm>>) dst(%dma_wait3A_213 : memref<128x16xf32, #tpu.memory_space<vmem>>)
    %dma_wait3A_219 = arith.constant 384 : i32
    %dma_wait3A_220 = arith.constant 0 : i32
    %dma_wait3A_221 = tpu.memref_slice %arg13[%dma_wait3A_219, %dma_wait3A_220] : memref<512x16xf32, #tpu.memory_space<vmem>> -> memref<128x16xf32, #tpu.memory_space<vmem>>
    %dma_wait3A_222 = arith.constant 384 : i32
    %dma_wait3A_223 = tpu.memref_slice %arg10[%dma_wait3A_222] : memref<512xi32, #tpu.memory_space<vmem>> -> memref<128xi32, #tpu.memory_space<vmem>>
    %dma_wait3A_224 = arith.constant 0 : i32
    %dma_wait3A_225 = arith.constant 0 : i32
    %dma_wait3A_226 = tpu.memref_slice %arg5[%dma_wait3A_224, %dma_wait3A_225] : memref<1000000x16xf32, #tpu.memory_space<hbm>> -> memref<1000000x16xf32, #tpu.memory_space<hbm>>
    tpu.wait_indirect_dma semaphore(%arg17 : memref<!tpu.dma_semaphore, #tpu.memory_space<semaphore_mem>>) src(%dma_wait3A_226 : memref<1000000x16xf32, #tpu.memory_space<hbm>>) dst(%dma_wait3A_221 : memref<128x16xf32, #tpu.memory_space<vmem>>)
    %dma_wait3A_227 = arith.constant 384 : i32
    %dma_wait3A_228 = arith.constant 0 : i32
    %dma_wait3A_229 = tpu.memref_slice %arg14[%dma_wait3A_227, %dma_wait3A_228] : memref<512x16xf32, #tpu.memory_space<vmem>> -> memref<128x16xf32, #tpu.memory_space<vmem>>
    %dma_wait3A_230 = arith.constant 384 : i32
    %dma_wait3A_231 = tpu.memref_slice %arg11[%dma_wait3A_230] : memref<512xi32, #tpu.memory_space<vmem>> -> memref<128xi32, #tpu.memory_space<vmem>>
    %dma_wait3A_232 = arith.constant 0 : i32
    %dma_wait3A_233 = arith.constant 0 : i32
    %dma_wait3A_234 = tpu.memref_slice %arg6[%dma_wait3A_232, %dma_wait3A_233] : memref<1000000x16xf32, #tpu.memory_space<hbm>> -> memref<1000000x16xf32, #tpu.memory_space<hbm>>
    tpu.wait_indirect_dma semaphore(%arg17 : memref<!tpu.dma_semaphore, #tpu.memory_space<semaphore_mem>>) src(%dma_wait3A_234 : memref<1000000x16xf32, #tpu.memory_space<hbm>>) dst(%dma_wait3A_229 : memref<128x16xf32, #tpu.memory_space<vmem>>)
    %dma_wait3A_235 = arith.constant 384 : i32
    %dma_wait3A_236 = tpu.memref_slice %arg15[%dma_wait3A_235] : memref<512xf32, #tpu.memory_space<vmem>> -> memref<128xf32, #tpu.memory_space<vmem>>
    %dma_wait3A_237 = arith.constant 384 : i32
    %dma_wait3A_238 = tpu.memref_slice %arg11[%dma_wait3A_237] : memref<512xi32, #tpu.memory_space<vmem>> -> memref<128xi32, #tpu.memory_space<vmem>>
    %dma_wait3A_239 = arith.constant 0 : i32
    %dma_wait3A_240 = tpu.memref_slice %arg7[%dma_wait3A_239] : memref<1000000xf32, #tpu.memory_space<hbm>> -> memref<1000000xf32, #tpu.memory_space<hbm>>
    tpu.wait_indirect_dma semaphore(%arg17 : memref<!tpu.dma_semaphore, #tpu.memory_space<semaphore_mem>>) src(%dma_wait3A_240 : memref<1000000xf32, #tpu.memory_space<hbm>>) dst(%dma_wait3A_236 : memref<128xf32, #tpu.memory_space<vmem>>)
    %iota3A = tpu.iota {dimensions = array<i32: 0>} : vector<16xi32>
    %scan3A = arith.constant 0 : i32
    %scan3A_241 = arith.constant 32 : i32
    %scan3A_242 = arith.addi %scan3A, %scan3A_241 : i32
    %scan3A_243 = arith.constant 1 : i32
    scf.for %scan3A_245 = %scan3A to %scan3A_242 step %scan3A_243  : i32 {
      %mul3A_246 = arith.constant 16 : i32
      %mul3A_247 = arith.muli %scan3A_245, %mul3A_246 : i32
      %add3A_248 = vector.broadcast %mul3A_247 : i32 to vector<16xi32>
      %add3A_249 = arith.addi %add3A_248, %iota3A : vector<16xi32>
      %broadcast_in_dim3A = arith.constant 0.000000e+00 : f32
      %broadcast_in_dim3A_250 = vector.broadcast %broadcast_in_dim3A : f32 to vector<16xf32>
      %broadcast_in_dim3A_251 = arith.constant 0 : i32
      %broadcast_in_dim3A_252 = vector.broadcast %broadcast_in_dim3A_251 : i32 to vector<16xi32>
      %gather3A = tpu.vector_load_idx %arg12[%add3A_249, %broadcast_in_dim3A_252] : memref<512x16xf32, #tpu.memory_space<vmem>>[vector<16xi32>, vector<16xi32>], vector<16xf32>,
      %gather3A_253 = tpu.vector_load_idx %arg13[%add3A_249, %broadcast_in_dim3A_252] : memref<512x16xf32, #tpu.memory_space<vmem>>[vector<16xi32>, vector<16xi32>], vector<16xf32>,
      %gather3A_254 = tpu.vector_load_idx %arg14[%add3A_249, %broadcast_in_dim3A_252] : memref<512x16xf32, #tpu.memory_space<vmem>>[vector<16xi32>, vector<16xi32>], vector<16xf32>,
      %add3A_255 = arith.addf %gather3A, %gather3A_253 : vector<16xf32>
      %mul3A_256 = arith.mulf %add3A_255, %gather3A_254 : vector<16xf32>
      %add3A_257 = arith.addf %broadcast_in_dim3A_250, %mul3A_256 : vector<16xf32>
      %broadcast_in_dim3A_258 = arith.constant 1 : i32
      %broadcast_in_dim3A_259 = vector.broadcast %broadcast_in_dim3A_258 : i32 to vector<16xi32>
      %gather3A_260 = tpu.vector_load_idx %arg12[%add3A_249, %broadcast_in_dim3A_259] : memref<512x16xf32, #tpu.memory_space<vmem>>[vector<16xi32>, vector<16xi32>], vector<16xf32>,
      %gather3A_261 = tpu.vector_load_idx %arg13[%add3A_249, %broadcast_in_dim3A_259] : memref<512x16xf32, #tpu.memory_space<vmem>>[vector<16xi32>, vector<16xi32>], vector<16xf32>,
      %gather3A_262 = tpu.vector_load_idx %arg14[%add3A_249, %broadcast_in_dim3A_259] : memref<512x16xf32, #tpu.memory_space<vmem>>[vector<16xi32>, vector<16xi32>], vector<16xf32>,
      %add3A_263 = arith.addf %gather3A_260, %gather3A_261 : vector<16xf32>
      %mul3A_264 = arith.mulf %add3A_263, %gather3A_262 : vector<16xf32>
      %add3A_265 = arith.addf %add3A_257, %mul3A_264 : vector<16xf32>
      %broadcast_in_dim3A_266 = arith.constant 2 : i32
      %broadcast_in_dim3A_267 = vector.broadcast %broadcast_in_dim3A_266 : i32 to vector<16xi32>
      %gather3A_268 = tpu.vector_load_idx %arg12[%add3A_249, %broadcast_in_dim3A_267] : memref<512x16xf32, #tpu.memory_space<vmem>>[vector<16xi32>, vector<16xi32>], vector<16xf32>,
      %gather3A_269 = tpu.vector_load_idx %arg13[%add3A_249, %broadcast_in_dim3A_267] : memref<512x16xf32, #tpu.memory_space<vmem>>[vector<16xi32>, vector<16xi32>], vector<16xf32>,
      %gather3A_270 = tpu.vector_load_idx %arg14[%add3A_249, %broadcast_in_dim3A_267] : memref<512x16xf32, #tpu.memory_space<vmem>>[vector<16xi32>, vector<16xi32>], vector<16xf32>,
      %add3A_271 = arith.addf %gather3A_268, %gather3A_269 : vector<16xf32>
      %mul3A_272 = arith.mulf %add3A_271, %gather3A_270 : vector<16xf32>
      %add3A_273 = arith.addf %add3A_265, %mul3A_272 : vector<16xf32>
      %broadcast_in_dim3A_274 = arith.constant 3 : i32
      %broadcast_in_dim3A_275 = vector.broadcast %broadcast_in_dim3A_274 : i32 to vector<16xi32>
      %gather3A_276 = tpu.vector_load_idx %arg12[%add3A_249, %broadcast_in_dim3A_275] : memref<512x16xf32, #tpu.memory_space<vmem>>[vector<16xi32>, vector<16xi32>], vector<16xf32>,
      %gather3A_277 = tpu.vector_load_idx %arg13[%add3A_249, %broadcast_in_dim3A_275] : memref<512x16xf32, #tpu.memory_space<vmem>>[vector<16xi32>, vector<16xi32>], vector<16xf32>,
      %gather3A_278 = tpu.vector_load_idx %arg14[%add3A_249, %broadcast_in_dim3A_275] : memref<512x16xf32, #tpu.memory_space<vmem>>[vector<16xi32>, vector<16xi32>], vector<16xf32>,
      %add3A_279 = arith.addf %gather3A_276, %gather3A_277 : vector<16xf32>
      %mul3A_280 = arith.mulf %add3A_279, %gather3A_278 : vector<16xf32>
      %add3A_281 = arith.addf %add3A_273, %mul3A_280 : vector<16xf32>
      %broadcast_in_dim3A_282 = arith.constant 4 : i32
      %broadcast_in_dim3A_283 = vector.broadcast %broadcast_in_dim3A_282 : i32 to vector<16xi32>
      %gather3A_284 = tpu.vector_load_idx %arg12[%add3A_249, %broadcast_in_dim3A_283] : memref<512x16xf32, #tpu.memory_space<vmem>>[vector<16xi32>, vector<16xi32>], vector<16xf32>,
      %gather3A_285 = tpu.vector_load_idx %arg13[%add3A_249, %broadcast_in_dim3A_283] : memref<512x16xf32, #tpu.memory_space<vmem>>[vector<16xi32>, vector<16xi32>], vector<16xf32>,
      %gather3A_286 = tpu.vector_load_idx %arg14[%add3A_249, %broadcast_in_dim3A_283] : memref<512x16xf32, #tpu.memory_space<vmem>>[vector<16xi32>, vector<16xi32>], vector<16xf32>,
      %add3A_287 = arith.addf %gather3A_284, %gather3A_285 : vector<16xf32>
      %mul3A_288 = arith.mulf %add3A_287, %gather3A_286 : vector<16xf32>
      %add3A_289 = arith.addf %add3A_281, %mul3A_288 : vector<16xf32>
      %broadcast_in_dim3A_290 = arith.constant 5 : i32
      %broadcast_in_dim3A_291 = vector.broadcast %broadcast_in_dim3A_290 : i32 to vector<16xi32>
      %gather3A_292 = tpu.vector_load_idx %arg12[%add3A_249, %broadcast_in_dim3A_291] : memref<512x16xf32, #tpu.memory_space<vmem>>[vector<16xi32>, vector<16xi32>], vector<16xf32>,
      %gather3A_293 = tpu.vector_load_idx %arg13[%add3A_249, %broadcast_in_dim3A_291] : memref<512x16xf32, #tpu.memory_space<vmem>>[vector<16xi32>, vector<16xi32>], vector<16xf32>,
      %gather3A_294 = tpu.vector_load_idx %arg14[%add3A_249, %broadcast_in_dim3A_291] : memref<512x16xf32, #tpu.memory_space<vmem>>[vector<16xi32>, vector<16xi32>], vector<16xf32>,
      %add3A_295 = arith.addf %gather3A_292, %gather3A_293 : vector<16xf32>
      %mul3A_296 = arith.mulf %add3A_295, %gather3A_294 : vector<16xf32>
      %add3A_297 = arith.addf %add3A_289, %mul3A_296 : vector<16xf32>
      %broadcast_in_dim3A_298 = arith.constant 6 : i32
      %broadcast_in_dim3A_299 = vector.broadcast %broadcast_in_dim3A_298 : i32 to vector<16xi32>
      %gather3A_300 = tpu.vector_load_idx %arg12[%add3A_249, %broadcast_in_dim3A_299] : memref<512x16xf32, #tpu.memory_space<vmem>>[vector<16xi32>, vector<16xi32>], vector<16xf32>,
      %gather3A_301 = tpu.vector_load_idx %arg13[%add3A_249, %broadcast_in_dim3A_299] : memref<512x16xf32, #tpu.memory_space<vmem>>[vector<16xi32>, vector<16xi32>], vector<16xf32>,
      %gather3A_302 = tpu.vector_load_idx %arg14[%add3A_249, %broadcast_in_dim3A_299] : memref<512x16xf32, #tpu.memory_space<vmem>>[vector<16xi32>, vector<16xi32>], vector<16xf32>,
      %add3A_303 = arith.addf %gather3A_300, %gather3A_301 : vector<16xf32>
      %mul3A_304 = arith.mulf %add3A_303, %gather3A_302 : vector<16xf32>
      %add3A_305 = arith.addf %add3A_297, %mul3A_304 : vector<16xf32>
      %broadcast_in_dim3A_306 = arith.constant 7 : i32
      %broadcast_in_dim3A_307 = vector.broadcast %broadcast_in_dim3A_306 : i32 to vector<16xi32>
      %gather3A_308 = tpu.vector_load_idx %arg12[%add3A_249, %broadcast_in_dim3A_307] : memref<512x16xf32, #tpu.memory_space<vmem>>[vector<16xi32>, vector<16xi32>], vector<16xf32>,
      %gather3A_309 = tpu.vector_load_idx %arg13[%add3A_249, %broadcast_in_dim3A_307] : memref<512x16xf32, #tpu.memory_space<vmem>>[vector<16xi32>, vector<16xi32>], vector<16xf32>,
      %gather3A_310 = tpu.vector_load_idx %arg14[%add3A_249, %broadcast_in_dim3A_307] : memref<512x16xf32, #tpu.memory_space<vmem>>[vector<16xi32>, vector<16xi32>], vector<16xf32>,
      %add3A_311 = arith.addf %gather3A_308, %gather3A_309 : vector<16xf32>
      %mul3A_312 = arith.mulf %add3A_311, %gather3A_310 : vector<16xf32>
      %add3A_313 = arith.addf %add3A_305, %mul3A_312 : vector<16xf32>
      %broadcast_in_dim3A_314 = arith.constant 8 : i32
      %broadcast_in_dim3A_315 = vector.broadcast %broadcast_in_dim3A_314 : i32 to vector<16xi32>
      %gather3A_316 = tpu.vector_load_idx %arg12[%add3A_249, %broadcast_in_dim3A_315] : memref<512x16xf32, #tpu.memory_space<vmem>>[vector<16xi32>, vector<16xi32>], vector<16xf32>,
      %gather3A_317 = tpu.vector_load_idx %arg13[%add3A_249, %broadcast_in_dim3A_315] : memref<512x16xf32, #tpu.memory_space<vmem>>[vector<16xi32>, vector<16xi32>], vector<16xf32>,
      %gather3A_318 = tpu.vector_load_idx %arg14[%add3A_249, %broadcast_in_dim3A_315] : memref<512x16xf32, #tpu.memory_space<vmem>>[vector<16xi32>, vector<16xi32>], vector<16xf32>,
      %add3A_319 = arith.addf %gather3A_316, %gather3A_317 : vector<16xf32>
      %mul3A_320 = arith.mulf %add3A_319, %gather3A_318 : vector<16xf32>
      %add3A_321 = arith.addf %add3A_313, %mul3A_320 : vector<16xf32>
      %broadcast_in_dim3A_322 = arith.constant 9 : i32
      %broadcast_in_dim3A_323 = vector.broadcast %broadcast_in_dim3A_322 : i32 to vector<16xi32>
      %gather3A_324 = tpu.vector_load_idx %arg12[%add3A_249, %broadcast_in_dim3A_323] : memref<512x16xf32, #tpu.memory_space<vmem>>[vector<16xi32>, vector<16xi32>], vector<16xf32>,
      %gather3A_325 = tpu.vector_load_idx %arg13[%add3A_249, %broadcast_in_dim3A_323] : memref<512x16xf32, #tpu.memory_space<vmem>>[vector<16xi32>, vector<16xi32>], vector<16xf32>,
      %gather3A_326 = tpu.vector_load_idx %arg14[%add3A_249, %broadcast_in_dim3A_323] : memref<512x16xf32, #tpu.memory_space<vmem>>[vector<16xi32>, vector<16xi32>], vector<16xf32>,
      %add3A_327 = arith.addf %gather3A_324, %gather3A_325 : vector<16xf32>
      %mul3A_328 = arith.mulf %add3A_327, %gather3A_326 : vector<16xf32>
      %add3A_329 = arith.addf %add3A_321, %mul3A_328 : vector<16xf32>
      %broadcast_in_dim3A_330 = arith.constant 10 : i32
      %broadcast_in_dim3A_331 = vector.broadcast %broadcast_in_dim3A_330 : i32 to vector<16xi32>
      %gather3A_332 = tpu.vector_load_idx %arg12[%add3A_249, %broadcast_in_dim3A_331] : memref<512x16xf32, #tpu.memory_space<vmem>>[vector<16xi32>, vector<16xi32>], vector<16xf32>,
      %gather3A_333 = tpu.vector_load_idx %arg13[%add3A_249, %broadcast_in_dim3A_331] : memref<512x16xf32, #tpu.memory_space<vmem>>[vector<16xi32>, vector<16xi32>], vector<16xf32>,
      %gather3A_334 = tpu.vector_load_idx %arg14[%add3A_249, %broadcast_in_dim3A_331] : memref<512x16xf32, #tpu.memory_space<vmem>>[vector<16xi32>, vector<16xi32>], vector<16xf32>,
      %add3A_335 = arith.addf %gather3A_332, %gather3A_333 : vector<16xf32>
      %mul3A_336 = arith.mulf %add3A_335, %gather3A_334 : vector<16xf32>
      %add3A_337 = arith.addf %add3A_329, %mul3A_336 : vector<16xf32>
      %broadcast_in_dim3A_338 = arith.constant 11 : i32
      %broadcast_in_dim3A_339 = vector.broadcast %broadcast_in_dim3A_338 : i32 to vector<16xi32>
      %gather3A_340 = tpu.vector_load_idx %arg12[%add3A_249, %broadcast_in_dim3A_339] : memref<512x16xf32, #tpu.memory_space<vmem>>[vector<16xi32>, vector<16xi32>], vector<16xf32>,
      %gather3A_341 = tpu.vector_load_idx %arg13[%add3A_249, %broadcast_in_dim3A_339] : memref<512x16xf32, #tpu.memory_space<vmem>>[vector<16xi32>, vector<16xi32>], vector<16xf32>,
      %gather3A_342 = tpu.vector_load_idx %arg14[%add3A_249, %broadcast_in_dim3A_339] : memref<512x16xf32, #tpu.memory_space<vmem>>[vector<16xi32>, vector<16xi32>], vector<16xf32>,
      %add3A_343 = arith.addf %gather3A_340, %gather3A_341 : vector<16xf32>
      %mul3A_344 = arith.mulf %add3A_343, %gather3A_342 : vector<16xf32>
      %add3A_345 = arith.addf %add3A_337, %mul3A_344 : vector<16xf32>
      %broadcast_in_dim3A_346 = arith.constant 12 : i32
      %broadcast_in_dim3A_347 = vector.broadcast %broadcast_in_dim3A_346 : i32 to vector<16xi32>
      %gather3A_348 = tpu.vector_load_idx %arg12[%add3A_249, %broadcast_in_dim3A_347] : memref<512x16xf32, #tpu.memory_space<vmem>>[vector<16xi32>, vector<16xi32>], vector<16xf32>,
      %gather3A_349 = tpu.vector_load_idx %arg13[%add3A_249, %broadcast_in_dim3A_347] : memref<512x16xf32, #tpu.memory_space<vmem>>[vector<16xi32>, vector<16xi32>], vector<16xf32>,
      %gather3A_350 = tpu.vector_load_idx %arg14[%add3A_249, %broadcast_in_dim3A_347] : memref<512x16xf32, #tpu.memory_space<vmem>>[vector<16xi32>, vector<16xi32>], vector<16xf32>,
      %add3A_351 = arith.addf %gather3A_348, %gather3A_349 : vector<16xf32>
      %mul3A_352 = arith.mulf %add3A_351, %gather3A_350 : vector<16xf32>
      %add3A_353 = arith.addf %add3A_345, %mul3A_352 : vector<16xf32>
      %broadcast_in_dim3A_354 = arith.constant 13 : i32
      %broadcast_in_dim3A_355 = vector.broadcast %broadcast_in_dim3A_354 : i32 to vector<16xi32>
      %gather3A_356 = tpu.vector_load_idx %arg12[%add3A_249, %broadcast_in_dim3A_355] : memref<512x16xf32, #tpu.memory_space<vmem>>[vector<16xi32>, vector<16xi32>], vector<16xf32>,
      %gather3A_357 = tpu.vector_load_idx %arg13[%add3A_249, %broadcast_in_dim3A_355] : memref<512x16xf32, #tpu.memory_space<vmem>>[vector<16xi32>, vector<16xi32>], vector<16xf32>,
      %gather3A_358 = tpu.vector_load_idx %arg14[%add3A_249, %broadcast_in_dim3A_355] : memref<512x16xf32, #tpu.memory_space<vmem>>[vector<16xi32>, vector<16xi32>], vector<16xf32>,
      %add3A_359 = arith.addf %gather3A_356, %gather3A_357 : vector<16xf32>
      %mul3A_360 = arith.mulf %add3A_359, %gather3A_358 : vector<16xf32>
      %add3A_361 = arith.addf %add3A_353, %mul3A_360 : vector<16xf32>
      %broadcast_in_dim3A_362 = arith.constant 14 : i32
      %broadcast_in_dim3A_363 = vector.broadcast %broadcast_in_dim3A_362 : i32 to vector<16xi32>
      %gather3A_364 = tpu.vector_load_idx %arg12[%add3A_249, %broadcast_in_dim3A_363] : memref<512x16xf32, #tpu.memory_space<vmem>>[vector<16xi32>, vector<16xi32>], vector<16xf32>,
      %gather3A_365 = tpu.vector_load_idx %arg13[%add3A_249, %broadcast_in_dim3A_363] : memref<512x16xf32, #tpu.memory_space<vmem>>[vector<16xi32>, vector<16xi32>], vector<16xf32>,
      %gather3A_366 = tpu.vector_load_idx %arg14[%add3A_249, %broadcast_in_dim3A_363] : memref<512x16xf32, #tpu.memory_space<vmem>>[vector<16xi32>, vector<16xi32>], vector<16xf32>,
      %add3A_367 = arith.addf %gather3A_364, %gather3A_365 : vector<16xf32>
      %mul3A_368 = arith.mulf %add3A_367, %gather3A_366 : vector<16xf32>
      %add3A_369 = arith.addf %add3A_361, %mul3A_368 : vector<16xf32>
      %broadcast_in_dim3A_370 = arith.constant 15 : i32
      %broadcast_in_dim3A_371 = vector.broadcast %broadcast_in_dim3A_370 : i32 to vector<16xi32>
      %gather3A_372 = tpu.vector_load_idx %arg12[%add3A_249, %broadcast_in_dim3A_371] : memref<512x16xf32, #tpu.memory_space<vmem>>[vector<16xi32>, vector<16xi32>], vector<16xf32>,
      %gather3A_373 = tpu.vector_load_idx %arg13[%add3A_249, %broadcast_in_dim3A_371] : memref<512x16xf32, #tpu.memory_space<vmem>>[vector<16xi32>, vector<16xi32>], vector<16xf32>,
      %gather3A_374 = tpu.vector_load_idx %arg14[%add3A_249, %broadcast_in_dim3A_371] : memref<512x16xf32, #tpu.memory_space<vmem>>[vector<16xi32>, vector<16xi32>], vector<16xf32>,
      %add3A_375 = arith.addf %gather3A_372, %gather3A_373 : vector<16xf32>
      %mul3A_376 = arith.mulf %add3A_375, %gather3A_374 : vector<16xf32>
      %add3A_377 = arith.addf %add3A_369, %mul3A_376 : vector<16xf32>
      %mul3A_378 = arith.constant 5.000000e-01 : f32
      %mul3A_379 = vector.broadcast %mul3A_378 : f32 to vector<16xf32>
      %mul3A_380 = arith.mulf %add3A_377, %mul3A_379 : vector<16xf32>
      %mul3A_381 = arith.constant 16 : i32
      %mul3A_382 = arith.muli %scan3A_245, %mul3A_381 : i32
      %get3A = arith.index_cast %mul3A_382 : i32 to index
      %get3A_383 = tpu.vector_load %arg15[%get3A] {strides = array<i32>} : memref<512xf32, #tpu.memory_space<vmem>>, vector<16xf32>,
      %add3A_384 = arith.addf %mul3A_380, %get3A_383 : vector<16xf32>
      %neg3A = arith.constant 0.000000e+00 : f32
      %neg3A_385 = vector.broadcast %neg3A : f32 to vector<16xf32>
      %neg3A_386 = arith.subf %neg3A_385, %add3A_384 : vector<16xf32>
      %exp3A = math.exp %neg3A_386 : vector<16xf32>
      %add3A_387 = arith.constant 1.000000e+00 : f32
      %add3A_388 = vector.broadcast %add3A_387 : f32 to vector<16xf32>
      %add3A_389 = arith.addf %add3A_388, %exp3A : vector<16xf32>
      %div3A = arith.constant 1.000000e+00 : f32
      %div3A_390 = vector.broadcast %div3A : f32 to vector<16xf32>
      %div3A_391 = arith.divf %div3A_390, %add3A_389 : vector<16xf32>
      %mul3A_392 = arith.constant 16 : i32
      %mul3A_393 = arith.muli %scan3A_245, %mul3A_392 : i32
      %swap3A = arith.index_cast %mul3A_393 : i32 to index
      %swap3A_394 = tpu.vector_load %arg16[%swap3A] {strides = array<i32>} : memref<512xf32, #tpu.memory_space<vmem>>, vector<16xf32>,
      tpu.vector_store %arg16[%swap3A], %div3A_391 {strides = array<i32>} : memref<512xf32, #tpu.memory_space<vmem>>, vector<16xf32>,
    }
    %scan3A_244 = arith.constant 32 : i32
    "tpu.region"() ({
      %run_scoped3A = tpu.sem_alloc : memref<!tpu.dma_semaphore, #tpu.memory_space<semaphore_mem>>
      %dma_start3A_245 = tpu.memref_slice %arg8[%mul3A_2] : memref<16384xf32, #tpu.memory_space<hbm>> -> memref<512xf32, #tpu.memory_space<hbm>>
      %dma_start3A_246 = tpu.memref_slice %arg8[%mul3A_2] : memref<16384xf32, #tpu.memory_space<hbm>> -> memref<512xf32, #tpu.memory_space<hbm>>
      tpu.enqueue_dma source(%arg16 : memref<512xf32, #tpu.memory_space<vmem>>) target(%dma_start3A_246 : memref<512xf32, #tpu.memory_space<hbm>>) target_semaphore(%run_scoped3A : memref<!tpu.dma_semaphore, #tpu.memory_space<semaphore_mem>>)
      %dma_wait3A_247 = tpu.memref_slice %arg8[%mul3A_2] : memref<16384xf32, #tpu.memory_space<hbm>> -> memref<512xf32, #tpu.memory_space<hbm>>
      %dma_wait3A_248 = tpu.memref_slice %arg8[%mul3A_2] : memref<16384xf32, #tpu.memory_space<hbm>> -> memref<512xf32, #tpu.memory_space<hbm>>
      tpu.wait_dma2 semaphore(%run_scoped3A : memref<!tpu.dma_semaphore, #tpu.memory_space<semaphore_mem>>) src(%arg16 : memref<512xf32, #tpu.memory_space<vmem>>) dst(%dma_wait3A_248 : memref<512xf32, #tpu.memory_space<hbm>>)
      tpu.yield
    }) : () -> ()
    return
  }
}

</mosaic_0001>

<sc_bundles>
// kernel: kernel.3.cloned.1.call-start
scs
__scs_entry_jumppad:
0x0: {  	(pc) =	sbr.rel $0x88, $3  }
0x1: {  	(tag) =	ssettag $0x0;
	lr =	simm.s32 $0x1  }
0x2: {  	[smem:$0x3F9D] =	sst lr;
	_ =	strace $0xD0000000  }
0x3: {  	_ = 	snop  }
0x4: {  	_ = 	snop  }
0x5: {  	_ = 	snop  }
0x6: {  	_ = 	snop  }
0x7: {  	_ = 	snop  }
__scs_overlays_trampoline_lowered:
0x8: {  	[smem:$0x3FAC] =	sst s0  }
0x9: {  	[smem:$0x3FAD] =	sst s1  }
0xa: {  	[smem:$0x3FAE] =	sst s2  }
0xb: {  	[smem:$0x3FAF] =	sst s3  }
0xc: {  	[smem:$0x3FB0] =	sst s4  }
0xd: {  	[smem:$0x3FB1] =	sst s5  }
0xe: {  	[smem:$0x3FB2] =	sst s6  }
0xf: {  	[smem:$0x3FB3] =	sst s7  }
0x10: {  	[smem:$0x3FB4] =	sst s8  }
0x11: {  	[smem:$0x3FB5] =	sst s9;
	s0 =	simm.s32 @!p0 $0x0  }
0x12: {  	s1 =	sld [smem:$0x3F9B];
	s0 =	simm.s32 @p0 $0x1  }
0x13: {  	[smem:$0x3FB6] =	sst s0;
	s0 =	simm.s32 @!p1 $0x0  }
0x14: {  	s2 =	sld [smem:$0x3F9A];
	s0 =	simm.s32 @p1 $0x1  }
0x15: {  	[smem:$0x3FB7] =	sst s0;
	s0 =	simm.s32 @!p2 $0x0  }
0x16: {  	s3 =	sld [smem:$0x3FDB];
	s0 =	simm.s32 @p2 $0x1  }
0x17: {  	s4 =	simm.s32 $0x1BF5;
	[smem:$0x3FB9] =	sst s0  }
0x18: {  	s0 =	sld [smem:$0x3F9C];
	_ =	swait.ge [sflag:s4], $0x0  }
0x19: {  	s7 =	sld [smem:$0x3F9D]  }
0x1a: {  	s8 =	sadd.s32 $0xFFFFE003, lr  }
0x1b: {  	s9 =	sadd.s32 $0xFFFFFEF7, lr;
	s5 =	simm.s32 $0xFFFFFFFF;
	p2 =	slt.u32 s8, $0xFFFFF086  }
0x1c: {  	p1 =	slt.u32 s9, $0xF7A;
	s5 =	simm.s32 @!p2 $0x0  }
0x1d: {  	s5 =	simm.s32 @p1 $0x1;
	p0 =	seq.s32 s7, s2  }
0x1e: {  	s7 =	smul.u32 @!p0 $0xF7A, s2;
	p2 =	seq.s32 @!p0 s5, $0x0  }
0x1f: {  	s9 =	smul.u32 $0xF7A, s1;
	s8 =	simm.s32 @!p0 $0x1BF5;
	p2 =	por !p2, p0  }
0x20: {  	[sflag:s8] =	ssyncset.s32 @!p0 $0xFFFFF086;
	s6 =	sadd.s32 @!p0 s3, s7;
	s7 =	simm.s32 @!p0 $0x108  }
0x21: {  	s3 =	sadd.s32 s3, s9;
	s6 =	sadd.s32 @!p0 $0x88, s6;
	s7 =	simm.s32 @p2 $0x1082  }
0x22: {  	[simem:s7], [sflag:s8] =	dma.local @!p0 [hbm:s6], $0xF7A  }
0x23: {  	s9 =	sor.u32 $0xD0000000, s2;
	s6 =	simm.s32 $0x108;
	_ =	swait.ge @!p0 [sflag:s8], $0x0  }
0x24: {  	s3 =	sadd.s32 $0x88, s3;
	s6 =	simm.s32 @!p1 $0x1082;
	[sflag:s4] =	ssyncset.s32 $0xFFFFF086  }
0x25: {  	[simem:s6], [sflag:s4] =	dma.local [hbm:s3], $0xF7A  }
0x26: {  	[smem:$0x3F9D] =	sst s1;
	(tag) =	ssettag s2;
	_ =	strace s9  }
0x27: {  	s1 =	sld [smem:$0x3FAD]  }
0x28: {  	s2 =	sld [smem:$0x3FAE]  }
0x29: {  	s4 =	sld [smem:$0x3FB0]  }
0x2a: {  	p0 =	seq.s32 s5, $0x0;
	s5 =	sld [smem:$0x3FB1]  }
0x2b: {  	s6 =	sld [smem:$0x3FB2]  }
0x2c: {  	s7 =	sld [smem:$0x3FB3]  }
0x2d: {  	s3 =	simm.s32 $0x108;
	s8 =	sld [smem:$0x3FB4]  }
0x2e: {  	s3 =	simm.s32 @!p0 $0x1082;
	s9 =	sld [smem:$0x3FB5]  }
0x2f: {  	lr =	sadd.s32 s0, s3;
	s0 =	sld [smem:$0x3FAC]  }
0x30: {  	s3 =	sld [smem:$0x3FAF]  }
0x31: {  	[smem:$0x3FB8] =	sst s10  }
0x32: {  	s10 =	sld [smem:$0x3FB6];
	_ =	sdelay $0x3  }
0x33: {  	p0 =	seq.s32 s10, $0x1;
	s10 =	sld [smem:$0x3FB8];
	_ =	sdelay $0x3  }
0x34: {  	[smem:$0x3FB8] =	sst s10  }
0x35: {  	s10 =	sld [smem:$0x3FB7];
	_ =	sdelay $0x3  }
0x36: {  	p1 =	seq.s32 s10, $0x1;
	s10 =	sld [smem:$0x3FB8];
	_ =	sdelay $0x3  }
0x37: {  	[smem:$0x3FB8] =	sst s10  }
0x38: {  	s10 =	sld [smem:$0x3FB9]  }
0x39: {  	_ = 	snop;
	(pc) =	sbr.ind lr, $3  }
0x3a: {  	_ = 	snop  }
0x3b: {  	_ = 	snop  }
0x3c: {  	p2 =	seq.s32 s10, $0x1;
	s10 =	sld [smem:$0x3FB8]  }
0x3d: {  	_ =	shalt  }
0x3e: {  	_ =	shalt  }
0x3f: {  	_ =	shalt  }
0x40: {  	_ =	shalt  }
0x41: {  	_ =	shalt  }
0x42: {  	_ =	shalt  }
0x43: {  	_ =	shalt  }
0x44: {  	_ =	shalt  }
0x45: {  	_ =	shalt  }
0x46: {  	_ =	shalt  }
0x47: {  	_ =	shalt  }
0x48: {  	_ =	shalt  }
0x49: {  	_ =	shalt  }
0x4a: {  	_ =	shalt  }
0x4b: {  	_ =	shalt  }
0x4c: {  	_ =	shalt  }
0x4d: {  	_ =	shalt  }
0x4e: {  	_ =	shalt  }
0x4f: {  	_ =	shalt  }
0x50: {  	_ =	shalt  }
0x51: {  	_ =	shalt  }
0x52: {  	_ =	shalt  }
0x53: {  	_ =	shalt  }
0x54: {  	_ =	shalt  }
0x55: {  	_ =	shalt  }
0x56: {  	_ =	shalt  }
0x57: {  	_ =	shalt  }
0x58: {  	_ =	shalt  }
0x59: {  	_ =	shalt  }
0x5a: {  	_ =	shalt  }
0x5b: {  	_ =	shalt  }
0x5c: {  	_ =	shalt  }
0x5d: {  	_ =	shalt  }
0x5e: {  	_ =	shalt  }
0x5f: {  	_ =	shalt  }
0x60: {  	_ =	shalt  }
0x61: {  	_ =	shalt  }
0x62: {  	_ =	shalt  }
0x63: {  	_ =	shalt  }
0x64: {  	_ =	shalt  }
0x65: {  	_ =	shalt  }
0x66: {  	_ =	shalt  }
0x67: {  	_ =	shalt  }
0x68: {  	_ =	shalt  }
0x69: {  	_ =	shalt  }
0x6a: {  	_ =	shalt  }
0x6b: {  	_ =	shalt  }
0x6c: {  	_ =	shalt  }
0x6d: {  	_ =	shalt  }
0x6e: {  	_ =	shalt  }
0x6f: {  	_ =	shalt  }
0x70: {  	_ =	shalt  }
0x71: {  	_ =	shalt  }
0x72: {  	_ =	shalt  }
0x73: {  	_ =	shalt  }
0x74: {  	_ =	shalt  }
0x75: {  	_ =	shalt  }
0x76: {  	_ =	shalt  }
0x77: {  	_ =	shalt  }
0x78: {  	_ =	shalt  }
0x79: {  	_ =	shalt  }
0x7a: {  	_ =	shalt  }
0x7b: {  	_ =	shalt  }
0x7c: {  	_ =	shalt  }
0x7d: {  	_ =	shalt  }
0x7e: {  	_ =	shalt  }
0x7f: {  	_ =	shalt  }
0x80: {  	_ =	shalt  }
0x81: {  	_ =	shalt  }
0x82: {  	_ =	shalt  }
0x83: {  	_ =	shalt  }
0x84: {  	_ =	shalt  }
0x85: {  	_ =	shalt  }
0x86: {  	_ =	shalt  }
0x87: {  	_ =	shalt  }
.Lfunc_end0:
.L_simem_size_0:
called_computation_lowered:
.L_overlay_start_0:
0x88: {  	s2 =	sld [smem:$0x3FD9]  }
0x89: {  	s3 =	sld [smem:$0x3FFE];
	_ =	sdelay $0x1  }
0x8a: {  	s1 =	srdreg.scid  }
0x8b: {  	s0 =	sand.u32 $0x1, s1  }
0x8c: {  	s17 =	sshll.u32 s0, $0xA;
	s2 =	sadd.s32 s3, s2  }
0x8d: {  	s2 =	sadd.s32 s2, s17  }
0x8e: {  	[smem:$0x3FC4] =	sst s2  }
0x8f: {  	_ = 	snop  }
0x90: {  	s2 =	sld [smem:$0x3FD0];
	(tm) =	ssettm $0x1  }
0x91: {  	s18 =	sld [smem:$0x3FFB];
	_ =	sdelay $0x3  }
0x92: {  	_ =	strace s18  }
0x93: {  	s3 =	sld [smem:$0x3FFC];
	_ =	sdelay $0x3  }
0x94: {  	_ =	strace s3  }
0x95: {  	s3 =	sld [smem:$0x3FFD];
	_ =	sdelay $0x3  }
0x96: {  	_ =	strace s3  }
0x97: {  	_ =	strace $0x8FFFFFFF  }
0x98: {  	s19 =	sld [smem:$0x3FDB];
	_ =	sdelay $0x1  }
0x99: {  	s4 =	simm.s32 $_scs_section_size  }
0x9a: {  	s5 =	simm.s32 $_size__tile_overlayer_lowered;
	s6 =	simm.s32 $_tile_overlayer_lowered  }
0x9b: {  	s22 =	simm.s32 $0x1BFF;
	s21 =	sshll.u32 s6, $0x1;
	s3 =	sadd.s32 s4, s19  }
0x9c: {  	s7 =	simm.s32 $0x0;
	s20 =	sshll.u32 s5, $0x1;
	s5 =	sadd.s32 s21, s3  }
0x9d: {  	[timem:s7], [sflag:s22] =	dma.local [hbm:s5], s20  }
0x9e: {  	_ =	swait.ge [sflag:s22], s20  }
0x9f: {  	s4 =	ssub.s32 $0x0, s20;
	[sflag:s22] =	ssyncset.done $0x0  }
0xa0: {  	[sflag:s22] =	ssyncadd.s32 s4;
	_ =	sdelay $0x1  }
0xa1: {  	s23 =	simm.s32 $0x1B8B  }
0xa2: {  	_ =	swait.ge [sflag:s23], $0x1  }
0xa3: {  	[sflag:s23] =	ssyncset.done $0x0  }
0xa4: {  	s25 =	simm.s32 $0x1B8E;
	s24 =	sld [smem:$0x3FFE];
	[sflag:s23] =	ssyncadd.s32 $0xFFFFFFFF  }
0xa5: {  	s26 =	simm.s32 $execute0_lowered;
	[smem:$0x3FD2] =	sst s25  }
0xa6: {  	s5 =	sshll.u32 s26, $0x1;
	_ =	strace $0x80000046;
	[dreg:$0x1] =	wrdreg $0xFFFFFFFF  }
0xa7: {  	s28 =	simm.s32 $_size_execute0_lowered;
	s3 =	sadd.s32 s3, s5;
	[dreg:$0x0] =	wrdreg $0x0  }
0xa8: {  	s5 =	sshll.u32 s28, $0x1;
	[dreg:$0x2] =	wrdreg s3  }
0xa9: {  	[dreg:$0x3] =	wrdreg s5  }
0xaa: {  	[dreg:$0x4] =	wrdreg $0xC0  }
0xab: {  	_ =	task [dreg:s7], $0x5FFFF  }
0xac: {  	[dreg:$0x1] =	wrdreg $0xFFFFFFFF  }
0xad: {  	[dreg:$0x0] =	wrdreg $0x60  }
0xae: {  	[dreg:$0x2] =	wrdreg s24  }
0xaf: {  	[dreg:$0x3] =	wrdreg s2  }
0xb0: {  	[dreg:$0x4] =	wrdreg $0x9  }
0xb1: {  	_ =	task.clear_ibuf [dreg:s7], $0x5FFFF;
	_ =	strace $0x90000046  }
0xb2: {  	s29 =	simm.s32 $0x9;
	_ =	strace $0x80000048  }
0xb3: {  	_ =	swait.ge [sflag:s29], $0x1  }
0xb4: {  	[sflag:s29] =	ssyncadd.s32 $0xFFFFFFFF  }
0xb5: {  	_ =	strace $0x90000048  }
0xb6: {  	_ =	sfence  }
0xb7: {  	s30 =	sld [smem:$0x0];
	_ =	sdelay $0x2  }
0xb8: {  	s31 =	sshll.u32 s1, $0xD;
	s1 =	sshrl.u32 s1, $0x2  }
0xb9: {  	s3 =	sand.u32 $0x4000, s31;
	s1 =	sadd.s32 s1, s30  }
0xba: {  	s0 =	sor.u32 s3, s0;
	s1 =	sshll.u32 s1, $0x11  }
0xbb: {  	s0 =	sor.u32 s1, s0  }
0xbc: {  	s0 =	sadd.s32 $0x8F2B, s0  }
0xbd: {  	[sflag:s0] =	ssyncadd.remote.s32 $0x1  }
0xbe: {  	_ =	sfence.sel $0xFFFF  }
0xbf: {  	[dreg:$0x0] =	wrdreg $0xFFFFFFFF;
	(pc) =	sbr.abs _section_cstart, $3  }
0xc0: {  	[dreg:$0x1] =	wrdreg $0xFFFFFFFF  }
0xc1: {  	_ =	task.clear_ibuf [dreg:s7], $0x2FFFF;
	_ =	strace $0x9FFFFFFF  }
0xc2: {  	(tm) =	ssettm $0x7FFFFFFF  }
0xc3: {  	_ =	shalt  }
tec
execute0_lowered:
.L_overlay_start_1:
0x0: {  	(tag) =	ssettag $0x1  }
0x1: {  	s0 =	rddreg [dreg:$0x0]  }
0x2: {  	s1 =	rddreg [dreg:$0x1];
	s3 =	srdreg.scid  }
0x3: {  	s2 =	simm.s32 $0x0;
	s5 =	stileid.u32;
	s11 =	simm.s32 $0x2  }
0x4: {  	s12 =	simm.s32 $0x200;
	s13 =	simm.s32 $0x400;
	s14 =	simm.s32 $0x80  }
0x5: {  	s15 =	simm.s32 $0x600;
	s16 =	simm.s32 $0x2600;
	s17 =	simm.s32 $0x4600  }
0x6: {  	s21 =	simm.s32 $0x480;
	s29 =	simm.s32 $0x500;
	s18 =	simm.s32 $0x380  }
0x7: {  	s19 =	simm.s32 $0x3E00;
	s20 =	simm.s32 $0x580;
	s22 =	simm.s32 $0x5E00  }
0x8: {  	s23 =	simm.s32 $0x6780;
	s24 =	simm.s32 $0x1;
	s25 =	simm.s32 $0x6800  }
0x9: {  	s26 =	simm.s32 $0x0;
	s4 =	sand.u32 $0x1, s3;
	[smem:$0x7FF] =	sst s2  }
0xa: {  	s28 =	sshll.u32 s5, $0x7;
	s3 =	sadd.s32 $0x112C600, s0;
	s5 =	sadd.s32 $0x1C00, s0  }
0xb: {  	s30 =	sshll.u32 s4, $0x6;
	_ =	strace $0x80000047;
	s6 =	ssub.s32 $0x2, s4  }
0xc: {  	s4 =	sadd.s32 $0xF44000, s0;
	s9 =	sor.u32 s30, s28;
	s31 =	sshrl.u32 s6, $0x1  }
0xd: {  	s8 =	sadd.s32 s9, s0;
	s0 =	ssub.s32 s6, s31;
	s9 =	sadd.s32 s1, s9  }
0xe: {  	v0 =	vlaneseq.u32;
	s1 =	simm.s32 $0x1E00;
	s6 =	sadd.s32 $0x1400, s8;
	s7 =	sadd.s32 $0xC00, s8  }
0xf: {  	v0 =	vmul.u32 $0x10, v0;
	s8 =	sadd.s32 $0x400, s8;
	s10 =	smax.u32 s0, $0x1;
	s0 =	simm.s32 $0x180  }
.LBB2_1:
0x10: {  	[tilespmem:s2], [sflag:$0x2] =	stream.linear.gather [hbm4b:s6+s2], $0x200, $0x38;
	[tilespmem:$0x6A00] =	vst v63  }
0x11: {  	_ =	swait.ge [sflag:s11], $0x200  }
0x12: {  	[sflag:s11] =	ssyncset.done $0x0  }
0x13: {  	[sflag:s11] =	ssyncadd.s32 $0xFFFFFE00  }
0x14: {  	[tilespmem:s12], [sflag:$0x2] =	stream.linear.gather [hbm4b:s7+s2], $0x200, $0x38;
	[tilespmem:$0x6A00] =	vst v63  }
0x15: {  	_ =	swait.ge [sflag:s11], $0x200  }
0x16: {  	[sflag:s11] =	ssyncset.done $0x0  }
0x17: {  	[sflag:s11] =	ssyncadd.s32 $0xFFFFFE00  }
0x18: {  	[tilespmem:s13], [sflag:$0x2] =	stream.linear.gather [hbm4b:s8+s2], $0x200, $0x38;
	[tilespmem:$0x6A00] =	vst v63  }
0x19: {  	_ =	swait.ge [sflag:s11], $0x200  }
0x1a: {  	[sflag:s11] =	ssyncset.done $0x0  }
0x1b: {  	[sflag:s11] =	ssyncadd.s32 $0xFFFFFE00  }
0x1c: {  	[tilespmem:s15], [sflag:$0x1] =	stream.indirect.gather [hbm4b:s3+s14], $0x10, s2, s14, $0xb8;
	[tilespmem:$0x6A00] =	vst v63  }
0x1d: {  	_ = 	snop  }
0x1e: {  	[tilespmem:s16], [sflag:$0x1] =	stream.indirect.gather [hbm4b:s3+s14], $0x10, s12, s14, $0xb8;
	[tilespmem:$0x6A00] =	vst v63  }
0x1f: {  	_ = 	snop  }
0x20: {  	[tilespmem:s17], [sflag:$0x1] =	stream.indirect.gather [hbm4b:s4+s14], $0x10, s13, s14, $0xb8;
	[tilespmem:$0x6A00] =	vst v63  }
0x21: {  	s28 =	simm.s32 $0x6600  }
0x22: {  	[tilespmem:s28], [sflag:$0x1] =	stream.indirect.gather [hbm4b:s5+s14], $0x1, s13, s14, $0xb8;
	[tilespmem:$0x6A00] =	vst v63  }
0x23: {  	s30 =	simm.s32 $0xE00  }
0x24: {  	[tilespmem:s30], [sflag:$0x1] =	stream.indirect.gather [hbm4b:s3+s14], $0x10, s14, s14, $0xb8;
	[tilespmem:$0x6A00] =	vst v63  }
0x25: {  	s31 =	simm.s32 $0x2E00;
	s30 =	simm.s32 $0x280  }
0x26: {  	[tilespmem:s31], [sflag:$0x1] =	stream.indirect.gather [hbm4b:s3+s14], $0x10, s30, s14, $0xb8;
	[tilespmem:$0x6A00] =	vst v63  }
0x27: {  	s30 =	simm.s32 $0x4E00  }
0x28: {  	[tilespmem:s30], [sflag:$0x1] =	stream.indirect.gather [hbm4b:s4+s14], $0x10, s21, s14, $0xb8;
	[tilespmem:$0x6A00] =	vst v63  }
0x29: {  	s30 =	simm.s32 $0x6680  }
0x2a: {  	[tilespmem:s30], [sflag:$0x1] =	stream.indirect.gather [hbm4b:s5+s14], $0x1, s21, s14, $0xb8;
	[tilespmem:$0x6A00] =	vst v63  }
0x2b: {  	s31 =	simm.s32 $0x1600;
	s30 =	simm.s32 $0x100  }
0x2c: {  	[tilespmem:s31], [sflag:$0x1] =	stream.indirect.gather [hbm4b:s3+s14], $0x10, s30, s14, $0xb8;
	[tilespmem:$0x6A00] =	vst v63  }
0x2d: {  	s30 =	simm.s32 $0x300;
	s31 =	simm.s32 $0x3600  }
0x2e: {  	[tilespmem:s31], [sflag:$0x1] =	stream.indirect.gather [hbm4b:s3+s14], $0x10, s30, s14, $0xb8;
	[tilespmem:$0x6A00] =	vst v63  }
0x2f: {  	s30 =	simm.s32 $0x5600  }
0x30: {  	[tilespmem:s30], [sflag:$0x1] =	stream.indirect.gather [hbm4b:s4+s14], $0x10, s29, s14, $0xb8;
	[tilespmem:$0x6A00] =	vst v63  }
0x31: {  	s30 =	simm.s32 $0x6700  }
0x32: {  	[tilespmem:s30], [sflag:$0x1] =	stream.indirect.gather [hbm4b:s5+s14], $0x1, s29, s14, $0xb8;
	[tilespmem:$0x6A00] =	vst v63  }
0x33: {  	_ = 	snop  }
0x34: {  	[tilespmem:s1], [sflag:$0x1] =	stream.indirect.gather [hbm4b:s3+s14], $0x10, s0, s14, $0xb8;
	[tilespmem:$0x6A00] =	vst v63  }
0x35: {  	_ = 	snop  }
0x36: {  	[tilespmem:s19], [sflag:$0x1] =	stream.indirect.gather [hbm4b:s3+s14], $0x10, s18, s14, $0xb8;
	[tilespmem:$0x6A00] =	vst v63  }
0x37: {  	_ = 	snop  }
0x38: {  	[tilespmem:s22], [sflag:$0x1] =	stream.indirect.gather [hbm4b:s4+s14], $0x10, s20, s14, $0xb8;
	[tilespmem:$0x6A00] =	vst v63  }
0x39: {  	_ = 	snop  }
0x3a: {  	[tilespmem:s23], [sflag:$0x1] =	stream.indirect.gather [hbm4b:s5+s14], $0x1, s20, s14, $0xb8;
	[tilespmem:$0x6A00] =	vst v63  }
0x3b: {  	_ =	swait.ge [sflag:s24], $0x800  }
0x3c: {  	[sflag:s24] =	ssyncset.done $0x0  }
0x3d: {  	[sflag:s24] =	ssyncadd.s32 $0xFFFFF800  }
0x3e: {  	_ =	swait.ge [sflag:s24], $0x800  }
0x3f: {  	[sflag:s24] =	ssyncset.done $0x0  }
0x40: {  	[sflag:s24] =	ssyncadd.s32 $0xFFFFF800  }
0x41: {  	_ =	swait.ge [sflag:s24], $0x800  }
0x42: {  	[sflag:s24] =	ssyncset.done $0x0  }
0x43: {  	[sflag:s24] =	ssyncadd.s32 $0xFFFFF800  }
0x44: {  	_ =	swait.ge [sflag:s24], $0x80  }
0x45: {  	[sflag:s24] =	ssyncset.done $0x0  }
0x46: {  	[sflag:s24] =	ssyncadd.s32 $0xFFFFFF80  }
0x47: {  	_ =	swait.ge [sflag:s24], $0x800  }
0x48: {  	[sflag:s24] =	ssyncset.done $0x0  }
0x49: {  	[sflag:s24] =	ssyncadd.s32 $0xFFFFF800  }
0x4a: {  	_ =	swait.ge [sflag:s24], $0x800  }
0x4b: {  	[sflag:s24] =	ssyncset.done $0x0  }
0x4c: {  	[sflag:s24] =	ssyncadd.s32 $0xFFFFF800  }
0x4d: {  	_ =	swait.ge [sflag:s24], $0x800  }
0x4e: {  	[sflag:s24] =	ssyncset.done $0x0  }
0x4f: {  	[sflag:s24] =	ssyncadd.s32 $0xFFFFF800  }
0x50: {  	_ =	swait.ge [sflag:s24], $0x80  }
0x51: {  	[sflag:s24] =	ssyncset.done $0x0  }
0x52: {  	[sflag:s24] =	ssyncadd.s32 $0xFFFFFF80  }
0x53: {  	_ =	swait.ge [sflag:s24], $0x800  }
0x54: {  	[sflag:s24] =	ssyncset.done $0x0  }
0x55: {  	[sflag:s24] =	ssyncadd.s32 $0xFFFFF800  }
0x56: {  	_ =	swait.ge [sflag:s24], $0x800  }
0x57: {  	[sflag:s24] =	ssyncset.done $0x0  }
0x58: {  	[sflag:s24] =	ssyncadd.s32 $0xFFFFF800  }
0x59: {  	_ =	swait.ge [sflag:s24], $0x800  }
0x5a: {  	[sflag:s24] =	ssyncset.done $0x0  }
0x5b: {  	[sflag:s24] =	ssyncadd.s32 $0xFFFFF800  }
0x5c: {  	_ =	swait.ge [sflag:s24], $0x80  }
0x5d: {  	[sflag:s24] =	ssyncset.done $0x0  }
0x5e: {  	[sflag:s24] =	ssyncadd.s32 $0xFFFFFF80  }
0x5f: {  	_ =	swait.ge [sflag:s24], $0x800  }
0x60: {  	[sflag:s24] =	ssyncset.done $0x0  }
0x61: {  	[sflag:s24] =	ssyncadd.s32 $0xFFFFF800  }
0x62: {  	_ =	swait.ge [sflag:s24], $0x800  }
0x63: {  	v1 =	vmov s2;
	[sflag:s24] =	ssyncset.done $0x0  }
0x64: {  	v1 =	vshll.u32 v1, $0x4;
	[sflag:s24] =	ssyncadd.s32 $0xFFFFF800  }
0x65: {  	v1 =	vor.u32 v0, v1;
	_ =	swait.ge [sflag:s24], $0x800  }
0x66: {  	v2 =	vor.u32 $0xE, v1;
	[sflag:s24] =	ssyncset.done $0x0  }
0x67: {  	v3 =	vor.u32 $0xD, v1;
	[sflag:s24] =	ssyncadd.s32 $0xFFFFF800  }
0x68: {  	v4 =	vor.u32 $0xC, v1;
	_ =	swait.ge [sflag:s24], $0x80  }
0x69: {  	v5 =	vor.u32 $0xB, v1;
	[sflag:s24] =	ssyncset.done $0x0  }
0x6a: {  	v6 =	vor.u32 $0xA, v1;
	[sflag:s24] =	ssyncadd.s32 $0xFFFFFF80  }
0x6b: {  	v7 =	vor.u32 $0x9, v1;
	v8 =	vld.idx.msk [tilespmem:v2+s17+$0x0], $0xffff  }
0x6c: {  	v9 =	vor.u32 $0x8, v1;
	v10 =	vld.idx.msk [tilespmem:v3+s17+$0x0], $0xffff  }
0x6d: {  	v11 =	vor.u32 $0x7, v1;
	v12 =	vld.idx.msk [tilespmem:v4+s17+$0x0], $0xffff  }
0x6e: {  	v13 =	vor.u32 $0x6, v1;
	v14 =	vld.idx.msk [tilespmem:v5+s17+$0x0], $0xffff  }
0x6f: {  	v15 =	vor.u32 $0x5, v1;
	v16 =	vld.idx.msk [tilespmem:v6+s17+$0x0], $0xffff  }
0x70: {  	v17 =	vor.u32 $0x4, v1;
	v18 =	vld.idx.msk [tilespmem:v7+s17+$0x0], $0xffff  }
0x71: {  	v19 =	vor.u32 $0x3, v1;
	v20 =	vld.idx.msk [tilespmem:v9+s17+$0x0], $0xffff  }
0x72: {  	v21 =	vor.u32 $0x2, v1;
	v22 =	vld.idx.msk [tilespmem:v11+s17+$0x0], $0xffff  }
0x73: {  	v23 =	vor.u32 $0x1, v1;
	v24 =	vld.idx.msk [tilespmem:v13+s17+$0x0], $0xffff  }
0x74: {  	v25 =	vld.idx.msk [tilespmem:v15+s17+$0x0], $0xffff  }
0x75: {  	v26 =	vld.idx.msk [tilespmem:v17+s17+$0x0], $0xffff  }
0x76: {  	v27 =	vld.idx.msk [tilespmem:v19+s17+$0x0], $0xffff  }
0x77: {  	v28 =	vld.idx.msk [tilespmem:v21+s17+$0x0], $0xffff  }
0x78: {  	v29 =	vld.idx.msk [tilespmem:v23+s17+$0x0], $0xffff  }
0x79: {  	v30 =	vld.idx.msk [tilespmem:v1+s17+$0x0], $0xffff  }
0x7a: {  	v31 =	vld.idx.msk [tilespmem:v1+s16+$0x0], $0xffff  }
0x7b: {  	v32 =	vld.idx.msk [tilespmem:v1+s15+$0x0], $0xffff  }
0x7c: {  	v33 =	vld.idx.msk [tilespmem:v23+s15+$0x0], $0xffff  }
0x7d: {  	v23 =	vld.idx.msk [tilespmem:v23+s16+$0x0], $0xffff  }
0x7e: {  	v34 =	vld.idx.msk [tilespmem:v21+s15+$0x0], $0xffff  }
0x7f: {  	v21 =	vld.idx.msk [tilespmem:v21+s16+$0x0], $0xffff  }
0x80: {  	v35 =	vld.idx.msk [tilespmem:v19+s15+$0x0], $0xffff;
	v31 =	vadd.f32 v31, v32  }
0x81: {  	v19 =	vld.idx.msk [tilespmem:v19+s16+$0x0], $0xffff  }
0x82: {  	v60 =	vld.idx.msk [tilespmem:v17+s15+$0x0], $0xffff;
	v23 =	vadd.f32 v23, v33;
	v30 =	vmul.f32 v30, v31  }
0x83: {  	v17 =	vld.idx.msk [tilespmem:v17+s16+$0x0], $0xffff  }
0x84: {  	v61 =	vld.idx.msk [tilespmem:v15+s15+$0x0], $0xffff;
	v21 =	vadd.f32 v21, v34;
	v23 =	vmul.f32 v29, v23;
	v30 =	vadd.f32 $0.0e+00, v30  }
0x85: {  	v15 =	vld.idx.msk [tilespmem:v15+s16+$0x0], $0xffff  }
0x86: {  	v62 =	vld.idx.msk [tilespmem:v13+s15+$0x0], $0xffff;
	v19 =	vadd.f32 v19, v35;
	v21 =	vmul.f32 v28, v21;
	v23 =	vadd.f32 v23, v30  }
0x87: {  	v13 =	vld.idx.msk [tilespmem:v13+s16+$0x0], $0xffff  }
0x88: {  	v63 =	vld.idx.msk [tilespmem:v11+s15+$0x0], $0xffff;
	v17 =	vadd.f32 v17, v60;
	v19 =	vmul.f32 v27, v19;
	v21 =	vadd.f32 v21, v23  }
0x89: {  	v11 =	vld.idx.msk [tilespmem:v11+s16+$0x0], $0xffff  }
0x8a: {  	v15 =	vadd.f32 v15, v61;
	v17 =	vmul.f32 v26, v17;
	v23 =	vld.idx.msk [tilespmem:v9+s15+$0x0], $0xffff;
	v19 =	vadd.f32 v19, v21  }
0x8b: {  	v9 =	vld.idx.msk [tilespmem:v9+s16+$0x0], $0xffff  }
0x8c: {  	v13 =	vadd.f32 v13, v62;
	v15 =	vmul.f32 v25, v15;
	v21 =	vld.idx.msk [tilespmem:v7+s15+$0x0], $0xffff;
	v17 =	vadd.f32 v17, v19  }
0x8d: {  	v7 =	vld.idx.msk [tilespmem:v7+s16+$0x0], $0xffff  }
0x8e: {  	v11 =	vadd.f32 v11, v63;
	v13 =	vmul.f32 v24, v13;
	v19 =	vld.idx.msk [tilespmem:v6+s15+$0x0], $0xffff;
	v15 =	vadd.f32 v15, v17  }
0x8f: {  	v6 =	vld.idx.msk [tilespmem:v6+s16+$0x0], $0xffff  }
0x90: {  	v11 =	vmul.f32 v22, v11;
	v9 =	vadd.f32 v9, v23;
	v17 =	vld.idx.msk [tilespmem:v5+s15+$0x0], $0xffff;
	v13 =	vadd.f32 v13, v15  }
0x91: {  	v5 =	vld.idx.msk [tilespmem:v5+s16+$0x0], $0xffff  }
0x92: {  	v9 =	vmul.f32 v20, v9;
	v7 =	vadd.f32 v7, v21;
	v15 =	vld.idx.msk [tilespmem:v4+s15+$0x0], $0xffff;
	v11 =	vadd.f32 v11, v13  }
0x93: {  	v1 =	vor.u32 $0xF, v1;
	v4 =	vld.idx.msk [tilespmem:v4+s16+$0x0], $0xffff  }
0x94: {  	v7 =	vmul.f32 v18, v7;
	v6 =	vadd.f32 v6, v19;
	v13 =	vld.idx.msk [tilespmem:v3+s15+$0x0], $0xffff;
	v9 =	vadd.f32 v9, v11  }
0x95: {  	v3 =	vld.idx.msk [tilespmem:v3+s16+$0x0], $0xffff  }
0x96: {  	v6 =	vmul.f32 v16, v6;
	v5 =	vadd.f32 v5, v17;
	v11 =	vld.idx.msk [tilespmem:v2+s15+$0x0], $0xffff;
	v7 =	vadd.f32 v7, v9  }
0x97: {  	v2 =	vld.idx.msk [tilespmem:v2+s16+$0x0], $0xffff  }
0x98: {  	v5 =	vmul.f32 v14, v5;
	v4 =	vadd.f32 v4, v15;
	v9 =	vld.idx.msk [tilespmem:v1+s15+$0x0], $0xffff;
	v6 =	vadd.f32 v6, v7  }
0x99: {  	v7 =	vld.idx.msk [tilespmem:v1+s16+$0x0], $0xffff  }
0x9a: {  	v4 =	vmul.f32 v12, v4;
	v3 =	vadd.f32 v3, v13;
	v5 =	vadd.f32 v5, v6  }
0x9b: {  	v1 =	vld.idx.msk [tilespmem:v1+s17+$0x0], $0xffff  }
0x9c: {  	v3 =	vmul.f32 v10, v3;
	v2 =	vadd.f32 v2, v11;
	v4 =	vadd.f32 v4, v5;
	_ =	sdelay $0x1  }
0x9d: {  	v2 =	vmul.f32 v8, v2;
	v3 =	vadd.f32 v3, v4;
	v4 =	vadd.f32 v7, v9;
	_ =	sdelay $0x1  }
0x9e: {  	v2 =	vadd.f32 v2, v3;
	v1 =	vmul.f32 v1, v4  }
0x9f: {  	v3 =	vld [tilespmem:s28+$0x0]  }
0xa0: {  	v1 =	vadd.f32 v1, v2;
	_ =	sdelay $0x1  }
0xa1: {  	v1 =	vmul.f32 $5.000000000e-01, v1;
	_ =	sdelay $0x1  }
0xa2: {  	v1 =	vadd.f32 v1, v3;
	_ =	sdelay $0x1  }
0xa3: {  	v1 =	vsub.f32 $0.0e+00, v1;
	_ =	sdelay $0x1  }
0xa4: {  	v1 =	vmul.f32 $1.442695020e+00, v1;
	_ =	sdelay $0x1  }
0xa5: {  	(erf) = vpow2.f32 v1;
	_ =	sdelay $0x8  }
0xa6: {  	v1 =	vpop (erf)  }
0xa7: {  	v1 =	vadd.f32 $1.000000000e+00, v1;
	_ =	sdelay $0x1  }
0xa8: {  	(erf) = vrcp.f32 v1;
	_ =	sdelay $0x1  }
0xa9: {  	s30 =	simm.s32 $0x10  }
0xaa: {  	v1 =	vmov s30  }
0xab: {  	v1 =	vshll.u32 v1, $0x4  }
0xac: {  	v6 =	vor.u32 v0, v1  }
0xad: {  	v3 =	vor.u32 $0xE, v6  }
0xae: {  	v5 =	vor.u32 $0xD, v6  }
0xaf: {  	v8 =	vor.u32 $0xC, v6  }
0xb0: {  	v10 =	vor.u32 $0xB, v6;
	v1 =	vpop (erf)  }
0xb1: {  	v12 =	vor.u32 $0xA, v6;
	[tilespmem:s25+$0x0] =	vst v1  }
0xb2: {  	v14 =	vor.u32 $0x9, v6;
	v1 =	vld.idx.msk [tilespmem:v3+s17+$0x0], $0xffff  }
0xb3: {  	v16 =	vor.u32 $0x8, v6;
	v2 =	vld.idx.msk [tilespmem:v5+s17+$0x0], $0xffff  }
0xb4: {  	v18 =	vor.u32 $0x7, v6;
	v4 =	vld.idx.msk [tilespmem:v8+s17+$0x0], $0xffff  }
0xb5: {  	v20 =	vor.u32 $0x6, v6;
	v7 =	vld.idx.msk [tilespmem:v10+s17+$0x0], $0xffff  }
0xb6: {  	v21 =	vor.u32 $0x5, v6;
	v9 =	vld.idx.msk [tilespmem:v12+s17+$0x0], $0xffff  }
0xb7: {  	v22 =	vor.u32 $0x4, v6;
	v11 =	vld.idx.msk [tilespmem:v14+s17+$0x0], $0xffff  }
0xb8: {  	v23 =	vor.u32 $0x3, v6;
	v13 =	vld.idx.msk [tilespmem:v16+s17+$0x0], $0xffff  }
0xb9: {  	v24 =	vor.u32 $0x2, v6;
	v15 =	vld.idx.msk [tilespmem:v18+s17+$0x0], $0xffff  }
0xba: {  	v25 =	vor.u32 $0x1, v6;
	v17 =	vld.idx.msk [tilespmem:v20+s17+$0x0], $0xffff  }
0xbb: {  	s31 =	simm.s32 $0x20;
	s30 =	simm.s32 $0x6800;
	v19 =	vld.idx.msk [tilespmem:v21+s17+$0x0], $0xffff  }
.LBB2_2:
0xbc: {  	p0 =	sne.s32 s31, $0x1F0;
	v26 =	vld.idx.msk [tilespmem:v22+s17+$0x0], $0xffff  }
0xbd: {  	v27 =	vld.idx.msk [tilespmem:v23+s17+$0x0], $0xffff  }
0xbe: {  	v28 =	vld.idx.msk [tilespmem:v24+s17+$0x0], $0xffff  }
0xbf: {  	v29 =	vld.idx.msk [tilespmem:v25+s17+$0x0], $0xffff  }
0xc0: {  	v30 =	vld.idx.msk [tilespmem:v6+s17+$0x0], $0xffff  }
0xc1: {  	v31 =	vld.idx.msk [tilespmem:v6+s16+$0x0], $0xffff  }
0xc2: {  	v32 =	vld.idx.msk [tilespmem:v6+s15+$0x0], $0xffff  }
0xc3: {  	v33 =	vld.idx.msk [tilespmem:v25+s15+$0x0], $0xffff  }
0xc4: {  	v25 =	vld.idx.msk [tilespmem:v25+s16+$0x0], $0xffff  }
0xc5: {  	v34 =	vld.idx.msk [tilespmem:v24+s15+$0x0], $0xffff  }
0xc6: {  	v24 =	vld.idx.msk [tilespmem:v24+s16+$0x0], $0xffff  }
0xc7: {  	v35 =	vld.idx.msk [tilespmem:v23+s15+$0x0], $0xffff  }
0xc8: {  	v31 =	vadd.f32 v31, v32;
	v23 =	vld.idx.msk [tilespmem:v23+s16+$0x0], $0xffff  }
0xc9: {  	v32 =	vld.idx.msk [tilespmem:v22+s15+$0x0], $0xffff  }
0xca: {  	v30 =	vmul.f32 v30, v31;
	v25 =	vadd.f32 v25, v33;
	v22 =	vld.idx.msk [tilespmem:v22+s16+$0x0], $0xffff  }
0xcb: {  	v31 =	vld.idx.msk [tilespmem:v21+s15+$0x0], $0xffff  }
0xcc: {  	v30 =	vadd.f32 $0.0e+00, v30;
	v25 =	vmul.f32 v29, v25;
	v24 =	vadd.f32 v24, v34;
	v21 =	vld.idx.msk [tilespmem:v21+s16+$0x0], $0xffff  }
0xcd: {  	v29 =	vld.idx.msk [tilespmem:v20+s15+$0x0], $0xffff  }
0xce: {  	v25 =	vadd.f32 v25, v30;
	v24 =	vmul.f32 v28, v24;
	v23 =	vadd.f32 v23, v35;
	v20 =	vld.idx.msk [tilespmem:v20+s16+$0x0], $0xffff  }
0xcf: {  	v28 =	vld.idx.msk [tilespmem:v18+s15+$0x0], $0xffff  }
0xd0: {  	v24 =	vadd.f32 v24, v25;
	v23 =	vmul.f32 v27, v23;
	v22 =	vadd.f32 v22, v32;
	v18 =	vld.idx.msk [tilespmem:v18+s16+$0x0], $0xffff  }
0xd1: {  	v25 =	vld.idx.msk [tilespmem:v16+s15+$0x0], $0xffff  }
0xd2: {  	v23 =	vadd.f32 v23, v24;
	v22 =	vmul.f32 v26, v22;
	v21 =	vadd.f32 v21, v31;
	v16 =	vld.idx.msk [tilespmem:v16+s16+$0x0], $0xffff  }
0xd3: {  	v24 =	vld.idx.msk [tilespmem:v14+s15+$0x0], $0xffff  }
0xd4: {  	v22 =	vadd.f32 v22, v23;
	v19 =	vmul.f32 v19, v21;
	v20 =	vadd.f32 v20, v29;
	v14 =	vld.idx.msk [tilespmem:v14+s16+$0x0], $0xffff  }
0xd5: {  	v21 =	vld.idx.msk [tilespmem:v12+s15+$0x0], $0xffff  }
0xd6: {  	v19 =	vadd.f32 v19, v22;
	v17 =	vmul.f32 v17, v20;
	v18 =	vadd.f32 v18, v28;
	v12 =	vld.idx.msk [tilespmem:v12+s16+$0x0], $0xffff  }
0xd7: {  	v20 =	vld.idx.msk [tilespmem:v10+s15+$0x0], $0xffff  }
0xd8: {  	v17 =	vadd.f32 v17, v19;
	v15 =	vmul.f32 v15, v18;
	v16 =	vadd.f32 v16, v25;
	v10 =	vld.idx.msk [tilespmem:v10+s16+$0x0], $0xffff  }
0xd9: {  	v6 =	vor.u32 $0xF, v6;
	v18 =	vld.idx.msk [tilespmem:v8+s15+$0x0], $0xffff  }
0xda: {  	v15 =	vadd.f32 v15, v17;
	v13 =	vmul.f32 v13, v16;
	v14 =	vadd.f32 v14, v24;
	v8 =	vld.idx.msk [tilespmem:v8+s16+$0x0], $0xffff  }
0xdb: {  	v16 =	vld.idx.msk [tilespmem:v5+s15+$0x0], $0xffff  }
0xdc: {  	v13 =	vadd.f32 v13, v15;
	v11 =	vmul.f32 v11, v14;
	v12 =	vadd.f32 v12, v21;
	v5 =	vld.idx.msk [tilespmem:v5+s16+$0x0], $0xffff  }
0xdd: {  	v14 =	vld.idx.msk [tilespmem:v3+s15+$0x0], $0xffff  }
0xde: {  	v11 =	vadd.f32 v11, v13;
	v9 =	vmul.f32 v9, v12;
	v10 =	vadd.f32 v10, v20;
	v3 =	vld.idx.msk [tilespmem:v3+s16+$0x0], $0xffff  }
0xdf: {  	v12 =	vld.idx.msk [tilespmem:v6+s15+$0x0], $0xffff  }
0xe0: {  	v9 =	vadd.f32 v9, v11;
	v7 =	vmul.f32 v7, v10;
	v8 =	vadd.f32 v8, v18;
	v10 =	vld.idx.msk [tilespmem:v6+s16+$0x0], $0xffff;
	_ =	sdelay $0x1  }
0xe1: {  	v7 =	vadd.f32 v7, v9;
	v4 =	vmul.f32 v4, v8;
	v5 =	vadd.f32 v5, v16;
	v6 =	vld.idx.msk [tilespmem:v6+s17+$0x0], $0xffff;
	_ =	sdelay $0x1  }
0xe2: {  	v4 =	vadd.f32 v4, v7;
	v2 =	vmul.f32 v2, v5;
	v3 =	vadd.f32 v3, v14;
	_ =	sdelay $0x1  }
0xe3: {  	v2 =	vadd.f32 v2, v4;
	v1 =	vmul.f32 v1, v3;
	v3 =	vadd.f32 v10, v12;
	_ =	sdelay $0x1  }
0xe4: {  	s28 =	sadd.s32 $0x10, s28;
	v1 =	vadd.f32 v1, v2;
	v2 =	vmul.f32 v6, v3  }
0xe5: {  	v3 =	vld [tilespmem:s28+$0x0]  }
0xe6: {  	v1 =	vadd.f32 v2, v1;
	_ =	sdelay $0x1  }
0xe7: {  	v1 =	vmul.f32 $5.000000000e-01, v1;
	_ =	sdelay $0x1  }
0xe8: {  	v1 =	vadd.f32 v1, v3;
	_ =	sdelay $0x1  }
0xe9: {  	v1 =	vsub.f32 $0.0e+00, v1;
	_ =	sdelay $0x1  }
0xea: {  	v1 =	vmul.f32 $1.442695020e+00, v1;
	_ =	sdelay $0x1  }
0xeb: {  	(erf) = vpow2.f32 v1;
	_ =	sdelay $0x8  }
0xec: {  	v1 =	vpop (erf)  }
0xed: {  	v1 =	vadd.f32 $1.000000000e+00, v1;
	_ =	sdelay $0x1  }
0xee: {  	(erf) = vrcp.f32 v1;
	_ =	sdelay $0x2  }
0xef: {  	v1 =	vmov s31  }
0xf0: {  	v1 =	vshll.u32 v1, $0x4  }
0xf1: {  	v6 =	vor.u32 v0, v1  }
0xf2: {  	v3 =	vor.u32 $0xE, v6  }
0xf3: {  	v5 =	vor.u32 $0xD, v6  }
0xf4: {  	v8 =	vor.u32 $0xC, v6  }
0xf5: {  	s30 =	sadd.s32 $0x10, s30;
	v10 =	vor.u32 $0xB, v6;
	v1 =	vpop (erf)  }
0xf6: {  	v12 =	vor.u32 $0xA, v6;
	[tilespmem:s30+$0x0] =	vst v1  }
0xf7: {  	v14 =	vor.u32 $0x9, v6;
	v1 =	vld.idx.msk [tilespmem:v3+s17+$0x0], $0xffff  }
0xf8: {  	v16 =	vor.u32 $0x8, v6;
	v2 =	vld.idx.msk [tilespmem:v5+s17+$0x0], $0xffff  }
0xf9: {  	v18 =	vor.u32 $0x7, v6;
	v4 =	vld.idx.msk [tilespmem:v8+s17+$0x0], $0xffff  }
0xfa: {  	v20 =	vor.u32 $0x6, v6;
	v7 =	vld.idx.msk [tilespmem:v10+s17+$0x0], $0xffff  }
0xfb: {  	v21 =	vor.u32 $0x5, v6;
	v9 =	vld.idx.msk [tilespmem:v12+s17+$0x0], $0xffff  }
.Ltmp0:
0xfc: {  	v22 =	vor.u32 $0x4, v6;
	v11 =	vld.idx.msk [tilespmem:v14+s17+$0x0], $0xffff;
	(pc) =	sbr.rel @p0 .LBB2_2-.Ltmp0, $4  }
0xfd: {  	v23 =	vor.u32 $0x3, v6;
	v13 =	vld.idx.msk [tilespmem:v16+s17+$0x0], $0xffff  }
0xfe: {  	v24 =	vor.u32 $0x2, v6;
	v15 =	vld.idx.msk [tilespmem:v18+s17+$0x0], $0xffff  }
0xff: {  	v25 =	vor.u32 $0x1, v6;
	v17 =	vld.idx.msk [tilespmem:v20+s17+$0x0], $0xffff  }
0x100: {  	s31 =	sadd.s32 $0x10, s31;
	v19 =	vld.idx.msk [tilespmem:v21+s17+$0x0], $0xffff  }
0x101: {  	_ =	sdelay $0x3  }
0x102: {  	v26 =	vld.idx.msk [tilespmem:v22+s17+$0x0], $0xffff  }
0x103: {  	v27 =	vld.idx.msk [tilespmem:v23+s17+$0x0], $0xffff  }
0x104: {  	v28 =	vld.idx.msk [tilespmem:v24+s17+$0x0], $0xffff  }
0x105: {  	v29 =	vld.idx.msk [tilespmem:v25+s17+$0x0], $0xffff  }
0x106: {  	v30 =	vld.idx.msk [tilespmem:v6+s17+$0x0], $0xffff  }
0x107: {  	v31 =	vld.idx.msk [tilespmem:v6+s16+$0x0], $0xffff  }
0x108: {  	v32 =	vld.idx.msk [tilespmem:v6+s15+$0x0], $0xffff  }
0x109: {  	v33 =	vld.idx.msk [tilespmem:v25+s15+$0x0], $0xffff  }
0x10a: {  	v37 =	vld.idx.msk [tilespmem:v25+s16+$0x0], $0xffff  }
0x10b: {  	v34 =	vld.idx.msk [tilespmem:v24+s15+$0x0], $0xffff  }
0x10c: {  	v38 =	vld.idx.msk [tilespmem:v24+s16+$0x0], $0xffff  }
0x10d: {  	v35 =	vld.idx.msk [tilespmem:v23+s15+$0x0], $0xffff;
	v31 =	vadd.f32 v31, v32  }
0x10e: {  	v39 =	vld.idx.msk [tilespmem:v23+s16+$0x0], $0xffff  }
0x10f: {  	v40 =	vld.idx.msk [tilespmem:v22+s15+$0x0], $0xffff;
	v25 =	vadd.f32 v37, v33;
	v30 =	vmul.f32 v30, v31  }
0x110: {  	v41 =	vld.idx.msk [tilespmem:v22+s16+$0x0], $0xffff  }
0x111: {  	v42 =	vld.idx.msk [tilespmem:v21+s15+$0x0], $0xffff;
	v24 =	vadd.f32 v38, v34;
	v25 =	vmul.f32 v29, v25;
	v30 =	vadd.f32 $0.0e+00, v30  }
0x112: {  	v43 =	vld.idx.msk [tilespmem:v21+s16+$0x0], $0xffff  }
0x113: {  	v44 =	vld.idx.msk [tilespmem:v20+s15+$0x0], $0xffff;
	v23 =	vadd.f32 v39, v35;
	v24 =	vmul.f32 v28, v24;
	v25 =	vadd.f32 v25, v30  }
0x114: {  	v45 =	vld.idx.msk [tilespmem:v20+s16+$0x0], $0xffff  }
0x115: {  	v46 =	vld.idx.msk [tilespmem:v18+s15+$0x0], $0xffff;
	v22 =	vadd.f32 v41, v40;
	v23 =	vmul.f32 v27, v23;
	v24 =	vadd.f32 v24, v25  }
0x116: {  	v47 =	vld.idx.msk [tilespmem:v18+s16+$0x0], $0xffff  }
0x117: {  	v48 =	vld.idx.msk [tilespmem:v16+s15+$0x0], $0xffff;
	v21 =	vadd.f32 v43, v42;
	v22 =	vmul.f32 v26, v22;
	v23 =	vadd.f32 v23, v24  }
0x118: {  	v49 =	vld.idx.msk [tilespmem:v16+s16+$0x0], $0xffff  }
0x119: {  	v50 =	vld.idx.msk [tilespmem:v14+s15+$0x0], $0xffff;
	v20 =	vadd.f32 v45, v44;
	v19 =	vmul.f32 v19, v21;
	v22 =	vadd.f32 v22, v23  }
0x11a: {  	v51 =	vld.idx.msk [tilespmem:v14+s16+$0x0], $0xffff  }
0x11b: {  	v52 =	vld.idx.msk [tilespmem:v12+s15+$0x0], $0xffff;
	v18 =	vadd.f32 v47, v46;
	v17 =	vmul.f32 v17, v20;
	v19 =	vadd.f32 v19, v22  }
0x11c: {  	v53 =	vld.idx.msk [tilespmem:v12+s16+$0x0], $0xffff  }
0x11d: {  	v54 =	vld.idx.msk [tilespmem:v10+s15+$0x0], $0xffff;
	v16 =	vadd.f32 v49, v48;
	v15 =	vmul.f32 v15, v18;
	v17 =	vadd.f32 v17, v19  }
0x11e: {  	v55 =	vld.idx.msk [tilespmem:v10+s16+$0x0], $0xffff  }
0x11f: {  	v56 =	vld.idx.msk [tilespmem:v8+s15+$0x0], $0xffff;
	v14 =	vadd.f32 v51, v50;
	v13 =	vmul.f32 v13, v16;
	v15 =	vadd.f32 v15, v17  }
0x120: {  	v57 =	vor.u32 $0xF, v6;
	v58 =	vld.idx.msk [tilespmem:v8+s16+$0x0], $0xffff  }
0x121: {  	v59 =	vld.idx.msk [tilespmem:v5+s15+$0x0], $0xffff;
	v12 =	vadd.f32 v53, v52;
	v11 =	vmul.f32 v11, v14;
	v13 =	vadd.f32 v13, v15  }
0x122: {  	v60 =	vld.idx.msk [tilespmem:v5+s16+$0x0], $0xffff  }
0x123: {  	v61 =	vld.idx.msk [tilespmem:v3+s15+$0x0], $0xffff;
	v10 =	vadd.f32 v55, v54;
	v9 =	vmul.f32 v9, v12;
	v11 =	vadd.f32 v11, v13  }
0x124: {  	v3 =	vld.idx.msk [tilespmem:v3+s16+$0x0], $0xffff  }
0x125: {  	v62 =	vld.idx.msk [tilespmem:v57+s15+$0x0], $0xffff;
	v8 =	vadd.f32 v58, v56;
	v7 =	vmul.f32 v7, v10;
	v9 =	vadd.f32 v9, v11  }
0x126: {  	v63 =	vld.idx.msk [tilespmem:v57+s16+$0x0], $0xffff  }
0x127: {  	v5 =	vadd.f32 v60, v59;
	v4 =	vmul.f32 v4, v8;
	v7 =	vadd.f32 v7, v9  }
0x128: {  	v6 =	vld.idx.msk [tilespmem:v57+s17+$0x0], $0xffff  }
0x129: {  	v3 =	vadd.f32 v3, v61;
	v2 =	vmul.f32 v2, v5;
	v4 =	vadd.f32 v4, v7;
	_ =	sdelay $0x1  }
0x12a: {  	v1 =	vmul.f32 v1, v3;
	v3 =	vadd.f32 v63, v62;
	v2 =	vadd.f32 v2, v4;
	_ =	sdelay $0x1  }
0x12b: {  	s28 =	sadd.s32 $0x10, s28;
	v1 =	vadd.f32 v1, v2;
	v2 =	vmul.f32 v6, v3  }
0x12c: {  	v3 =	vld [tilespmem:s28+$0x0]  }
0x12d: {  	v1 =	vadd.f32 v2, v1;
	_ =	sdelay $0x1  }
0x12e: {  	v1 =	vmul.f32 $5.000000000e-01, v1;
	_ =	sdelay $0x1  }
0x12f: {  	v1 =	vadd.f32 v1, v3;
	_ =	sdelay $0x1  }
0x130: {  	v1 =	vsub.f32 $0.0e+00, v1;
	_ =	sdelay $0x1  }
0x131: {  	v1 =	vmul.f32 $1.442695020e+00, v1;
	_ =	sdelay $0x1  }
0x132: {  	(erf) = vpow2.f32 v1;
	_ =	sdelay $0x8  }
0x133: {  	v1 =	vpop (erf)  }
0x134: {  	v1 =	vadd.f32 $1.000000000e+00, v1;
	_ =	sdelay $0x1  }
0x135: {  	(erf) = vrcp.f32 v1;
	_ =	sdelay $0x7  }
0x136: {  	s26 =	sadd.s32 $0x1, s26  }
0x137: {  	s31 =	sadd.s32 $0x10, s30;
	p0 =	sne.s32 s26, s10;
	v1 =	vpop (erf)  }
.Ltmp1:
0x138: {  	[tilespmem:s31+$0x0] =	vst v1;
	(pc) =	sbr.rel @p0 .LBB2_1-.Ltmp1, $4  }
0x139: {  	[hbm4b:s9+s2] =	stream.linear.scatter [tilespmem:s25], [sflag:$0x2], $0x200, $0x38;
	[tilespmem:$0x6A00] =	vst v63  }
0x13a: {  	_ =	swait.ge [sflag:s11], $0x200  }
0x13b: {  	[sflag:s11] =	ssyncset.done $0x0  }
0x13c: {  	[sflag:s11] =	ssyncadd.s32 $0xFFFFFE00  }
0x13d: {  	_ =	sfence.sel $0x180000  }
0x13e: {  	[bflag:$0x0] =	sbarrier.arrive $0xFFFF  }
0x13f: {  	_ =	strace $0x90000047  }
0x140: {  	s0 =	stileid.u32;
	[bflag:$0x2] =	sbarrier.arrive $0xFFFF  }
0x141: {  	p0 =	sne.s32 s0, $0x0;
	s0 =	rddreg [dreg:$0x2]  }
0x142: {  	s0 =	sadd.s32 @!p0 $0x100000, s0  }
0x143: {  	[sflag:s0] =	ssyncadd.tile.s32 @!p0 $0x1;
	_ =	shalt  }
.Lfunc_end2:
_tile_overlayer_lowered:
.L_overlay_start_2:
0x144: {  	(tag) =	ssettag $0x2  }
0x145: {  	s0 =	rddreg [dreg:$0x0];
	s2 =	stileid.u32  }
0x146: {  	s1 =	rddreg [dreg:$0x1];
	p0 =	sne.s32 s2, $0x0  }
0x147: {  	s3 =	rddreg [dreg:$0x2];
	[bflag:$0x3] =	sbarrier.arrive $0xFFFF;
	s2 =	simm.s32 @!p0 $0x1C02  }
0x148: {  	[timem:s3], [sflag:s2] =	dma.local @!p0 [hbm:s0], s1  }
0x149: {  	s0 =	simm.s32 @!p0 $0x2  }
0x14a: {  	_ =	swait.ge @!p0 [sflag:s0], s1  }
0x14b: {  	s1 =	ssub.s32 @!p0 $0x0, s1;
	[sflag:s0] =	ssyncset.done @!p0 $0x0  }
0x14c: {  	[sflag:s0] =	ssyncadd.s32 @!p0 s1  }
0x14d: {  	[bflag:$0x3] =	sbarrier.arrive $0xFFFF  }
0x14e: {  	_ =	shalt  }

</sc_bundles>
